<compile_context>
chip_gen: v7x
topology: tpu7x:2x2x1
jax: 0.10.2.dev20260603
libtpu: 0.0.44.dev20260713+nightly
codegen_flags: <defaults>
</compile_context>

<pallas_src>
import functools

import jax
import jax.numpy as jnp
from jax import lax
from jax.experimental import pallas as pl
from jax.experimental.pallas import tpu as pltpu
from jax.experimental.pallas import tpu_sc as plsc

N = 10000
E = 160000
NP = 10240
D_IN = 256
D_HID = 1024
NT = 16
NCORES = 2
LB = 128
NB = 79
EPT = NB * LB
C1 = D_IN // 128
C2 = D_HID // 128
RPT = NP // NT
RB = 1024
GRID = NP // RB


def _sc_agg_body(cc, nch, *refs):
    tab, srcC, dstT, zrow, out, acc, src_v, dst_v, gbuf = refs
    guard = cc * NCORES > nch

    c = lax.axis_index("c")
    s = lax.axis_index("s")
    row0 = s * RPT
    nz = RPT // LB

    pltpu.sync_copy(dstT.at[s], dst_v)

    for j in range(cc):
        cidx = c * cc + j
        live = cidx < nch

        def _prep():
            for z in range(nz):
                pltpu.sync_copy(zrow, acc.at[pl.ds(row0 + z * LB, LB)])
            pltpu.sync_copy(srcC.at[cidx, s], src_v)
        pl.when(live)(_prep) if guard else _prep()
        plsc.subcore_barrier()

        def _accum():
            def _bstep(b, _):
                pltpu.sync_copy(tab.at[src_v.at[b]], gbuf)
                pltpu.sync_copy(gbuf, acc.at[dst_v.at[b]], add=True)
                return 0
            lax.fori_loop(0, NB, _bstep, 0)
        pl.when(live)(_accum) if guard else _accum()
        plsc.subcore_barrier()

        def _flush():
            pltpu.sync_copy(acc.at[pl.ds(row0, RPT)],
                            out.at[cidx, pl.ds(row0, RPT)])
        pl.when(live)(_flush) if guard else _flush()
        plsc.subcore_barrier()


def _make_sc_agg(cc, nch):
    mesh = plsc.VectorSubcoreMesh(core_axis_name="c", subcore_axis_name="s")
    return pl.kernel(
        functools.partial(_sc_agg_body, cc, nch),
        out_type=jax.ShapeDtypeStruct((cc * NCORES, NP, 128), jnp.float32),
        mesh=mesh,
        scratch_types=[
            pltpu.VMEM_SHARED((NP, 128), jnp.float32),
            pltpu.VMEM((NB, LB), jnp.int32),
            pltpu.VMEM((NB, LB), jnp.int32),
            pltpu.VMEM((LB, 128), jnp.float32),
        ],
    )


def _tc_layer1_body(x_ref, agg_ref, deg_ref, ws_ref, wn_ref, b_ref,
                    h_ref, ht_ref):
    invd = 1.0 / jnp.maximum(deg_ref[:, 0:1], 1.0)
    aggn = jnp.concatenate([agg_ref[j] for j in range(C1)], axis=1) * invd
    h = (jnp.dot(x_ref[...], ws_ref[...], preferred_element_type=jnp.float32)
         + jnp.dot(aggn, wn_ref[...], preferred_element_type=jnp.float32)
         + b_ref[...])
    h = jnp.maximum(h, 0.0)
    h_ref[...] = h
    for j in range(C2):
        ht_ref[j] = h[:, j * 128:(j + 1) * 128]


def _tc_layer2_body(h_ref, agg_ref, deg_ref, ws_ref, wn_ref, b_ref,
                    wl_ref, bl_ref, out_ref):
    invd = 1.0 / jnp.maximum(deg_ref[:, 0:1], 1.0)
    aggn = jnp.concatenate([agg_ref[j] for j in range(C2)], axis=1) * invd
    h2 = (jnp.dot(h_ref[...], ws_ref[...], preferred_element_type=jnp.float32)
          + jnp.dot(aggn, wn_ref[...], preferred_element_type=jnp.float32)
          + b_ref[...])
    g = jax.nn.gelu(h2)
    out_ref[...] = (jnp.dot(g, wl_ref[...], preferred_element_type=jnp.float32)
                    + bl_ref[...])


def _tc_layer1(xp, agg1c, deg16, W1_self, W1_neigh, b1):
    return pl.pallas_call(
        _tc_layer1_body,
        grid=(GRID,),
        in_specs=[
            pl.BlockSpec((RB, D_IN), lambda i: (i, 0)),
            pl.BlockSpec((C1, RB, 128), lambda i: (0, i, 0)),
            pl.BlockSpec((RB, 128), lambda i: (i, 0)),
            pl.BlockSpec((D_IN, D_HID), lambda i: (0, 0)),
            pl.BlockSpec((D_IN, D_HID), lambda i: (0, 0)),
            pl.BlockSpec((1, D_HID), lambda i: (0, 0)),
        ],
        out_specs=[
            pl.BlockSpec((RB, D_HID), lambda i: (i, 0)),
            pl.BlockSpec((C2, RB, 128), lambda i: (0, i, 0)),
        ],
        out_shape=[
            jax.ShapeDtypeStruct((NP, D_HID), jnp.float32),
            jax.ShapeDtypeStruct((C2, NP, 128), jnp.float32),
        ],
    )(xp, agg1c, deg16, W1_self, W1_neigh, b1.reshape(1, D_HID))


def _tc_layer2(h1, agg2c, deg16, W2_self, W2_neigh, b2, W_lin, b_lin):
    return pl.pallas_call(
        _tc_layer2_body,
        grid=(GRID,),
        in_specs=[
            pl.BlockSpec((RB, D_HID), lambda i: (i, 0)),
            pl.BlockSpec((C2, RB, 128), lambda i: (0, i, 0)),
            pl.BlockSpec((RB, 128), lambda i: (i, 0)),
            pl.BlockSpec((D_HID, D_HID), lambda i: (0, 0)),
            pl.BlockSpec((D_HID, D_HID), lambda i: (0, 0)),
            pl.BlockSpec((1, D_HID), lambda i: (0, 0)),
            pl.BlockSpec((D_HID, D_HID), lambda i: (0, 0)),
            pl.BlockSpec((1, D_HID), lambda i: (0, 0)),
        ],
        out_specs=pl.BlockSpec((RB, D_HID), lambda i: (i, 0)),
        out_shape=jax.ShapeDtypeStruct((NP, D_HID), jnp.float32),
    )(h1, agg2c, deg16, W2_self, W2_neigh, b2.reshape(1, D_HID),
      W_lin, b_lin.reshape(1, D_HID))


def kernel(x, edge_index, W1_self, W1_neigh, b1, W2_self, W2_neigh, b2,
           W_lin, b_lin):
    src = edge_index[0].astype(jnp.int32)
    dst = edge_index[1].astype(jnp.int32)
    srcm = jnp.pad(src.reshape(NT, E // NT), ((0, 0), (0, EPT - E // NT)))
    dstm = jnp.pad(dst.reshape(NT, E // NT), ((0, 0), (0, EPT - E // NT)),
                   constant_values=N)
    dstT = dstm.reshape(NT, NB, LB)
    off1 = (jnp.minimum(jnp.arange(C1 + 2, dtype=jnp.int32), C1)
            * NP)[:, None, None]
    src1 = (srcm[None] + off1).reshape(C1 + 2, NT, NB, LB)
    off2 = (jnp.arange(C2, dtype=jnp.int32) * NP)[:, None, None]
    src2 = (srcm[None] + off2).reshape(C2, NT, NB, LB)

    xp = jnp.pad(x, ((0, NP - N), (0, 0)))
    xt = xp.reshape(NP, C1, 128).transpose(1, 0, 2).reshape(C1 * NP, 128)
    tab1 = jnp.concatenate([xt, jnp.ones((NP, 128), jnp.float32)], axis=0)

    zrow = jnp.zeros((LB, 128), jnp.float32)
    agg1out = _make_sc_agg((C1 + 2) // NCORES, C1 + 1)(tab1, src1, dstT, zrow)
    agg1c = agg1out[:C1]
    deg128 = agg1out[C1]
    h1, h1t = _tc_layer1(xp, agg1c, deg128, W1_self, W1_neigh, b1)
    agg2c = _make_sc_agg(C2 // NCORES, C2)(
        h1t.reshape(C2 * NP, 128), src2, dstT, zrow)
    out = _tc_layer2(h1, agg2c, deg128, W2_self, W2_neigh, b2, W_lin, b_lin)
    return out[:N]

# --- scband reference (transcript-rebuilt; emitter-appended) ---
"""Pipeline reference for scband-llaga-multi-modal-projector-35296041238785 (READ-ONLY COPY).

The authoritative reference and input builder live on the scoring server;
editing this copy changes nothing except your own understanding.
"""

import jax, jax.numpy as jnp
import numpy as np

N_NODES = 10000
N_EDGES = 160000
D_IN = 256
D_HID = 1024


def setup_inputs(seed: int = 0) -> dict:
    key = jax.random.key(seed)
    ks = jax.random.split(key, 12)
    x = jax.random.normal(ks[0], (N_NODES, D_IN), dtype=jnp.float32)
    edge_index = jax.random.randint(ks[1], (2, N_EDGES), 0, N_NODES, dtype=jnp.int64)
    s1 = 1.0 / np.sqrt(D_IN)
    s2 = 1.0 / np.sqrt(D_HID)
    W1_self = jax.random.uniform(ks[2], (D_IN, D_HID), jnp.float32, -s1, s1)
    W1_neigh = jax.random.uniform(ks[3], (D_IN, D_HID), jnp.float32, -s1, s1)
    b1 = jax.random.uniform(ks[4], (D_HID,), jnp.float32, -s1, s1)
    W2_self = jax.random.uniform(ks[5], (D_HID, D_HID), jnp.float32, -s2, s2)
    W2_neigh = jax.random.uniform(ks[6], (D_HID, D_HID), jnp.float32, -s2, s2)
    b2 = jax.random.uniform(ks[7], (D_HID,), jnp.float32, -s2, s2)
    W_lin = jax.random.uniform(ks[8], (D_HID, D_HID), jnp.float32, -s2, s2)
    b_lin = jax.random.uniform(ks[9], (D_HID,), jnp.float32, -s2, s2)
    return {"x": x, "edge_index": edge_index, "W1_self": W1_self, "W1_neigh": W1_neigh, "b1": b1,
            "W2_self": W2_self, "W2_neigh": W2_neigh, "b2": b2, "W_lin": W_lin, "b_lin": b_lin}


def _sage_conv(h, src, dst, n_nodes, W_self, W_neigh, b):
    # GraphSAGE mean aggregation: gather messages from src, scatter-mean onto dst
    msg = jnp.take(h, src, axis=0)
    agg = jax.ops.segment_sum(msg, dst, num_segments=n_nodes)
    deg = jax.ops.segment_sum(jnp.ones((src.shape[0],), h.dtype), dst, num_segments=n_nodes)
    agg = agg / jnp.clip(deg, 1.0, None)[:, None]
    return h @ W_self + agg @ W_neigh + b


def reference(x, edge_index, W1_self, W1_neigh, b1, W2_self, W2_neigh, b2, W_lin, b_lin):
    src = edge_index[0]
    dst = edge_index[1]
    n = x.shape[0]
    # linear_1: 2-layer SAGE GNN (in_channels=node_size -> out_channels=hidden_size)
    h = _sage_conv(x, src, dst, n, W1_self, W1_neigh, b1)
    h = jax.nn.relu(h)
    h = _sage_conv(h, src, dst, n, W2_self, W2_neigh, b2)
    # act: gelu
    h = jax.nn.gelu(h)
    # linear_2
    return h @ W_lin + b_lin

if __name__ == "__main__":
    import jax
    _d = setup_inputs()
    print(jax.jit(kernel)(*tuple(_d.values())))

</pallas_src>

<mosaic_0001>
#map = affine_map<(d0, d1) -> (0, 0)>
#map1 = affine_map<(d0, d1) -> (0, 0, 0, 0)>
#map2 = affine_map<(d0, d1) -> (0, 0, 0)>
module attributes {stable_mosaic.version = 14 : i64} {
  func.func @_sc_agg_body(%arg0: i32, %arg1: i32, %arg2: memref<30720x128xf32, #tpu.memory_space<hbm>>, %arg3: memref<4x16x79x128xi32, #tpu.memory_space<hbm>>, %arg4: memref<16x79x128xi32, #tpu.memory_space<hbm>>, %arg5: memref<128x128xf32, #tpu.memory_space<hbm>>, %arg6: memref<4x10240x128xf32, #tpu.memory_space<hbm>>, %arg7: memref<10240x128xf32, #tpu.memory_space<vmem_shared>>, %arg8: memref<79x128xi32, #tpu.memory_space<vmem>>, %arg9: memref<79x128xi32, #tpu.memory_space<vmem>>, %arg10: memref<128x128xf32, #tpu.memory_space<vmem>>) attributes {dimension_semantics = [#tpu.dimension_semantics<core_parallel>, #tpu.dimension_semantics<subcore_parallel>], iteration_bounds = array<i64: 2, 16>, scalar_prefetch = 0 : i64, scratch_operands = 4 : i64, tpu.core_type = #tpu.core_type<sc_vector_subcore>, window_params = [{transform_indices = #map}, {transform_indices = #map1}, {transform_indices = #map2}, {transform_indices = #map}, {transform_indices = #map2}]} {
    %mul3A = arith.constant 640 : i32
    %mul3A_0 = arith.muli %arg1, %mul3A : i32
    "tpu.region"() ({
      %run_scoped3A = tpu.sem_alloc : memref<!tpu.dma_semaphore, #tpu.memory_space<semaphore_mem>>
      %dma_start3A = arith.constant 0 : i32
      %dma_start3A_32 = arith.constant 0 : i32
      %dma_start3A_33 = tpu.memref_slice %arg4[%arg1, %dma_start3A, %dma_start3A_32] : memref<16x79x128xi32, #tpu.memory_space<hbm>> -> memref<1x79x128xi32, #tpu.memory_space<hbm>>
      %dma_start3A_34 = tpu.memref_squeeze %dma_start3A_33 : memref<1x79x128xi32, #tpu.memory_space<hbm>> -> memref<79x128xi32, #tpu.memory_space<hbm>>
      %dma_start3A_35 = arith.constant 0 : i32
      %dma_start3A_36 = arith.constant 0 : i32
      %dma_start3A_37 = tpu.memref_slice %arg4[%arg1, %dma_start3A_35, %dma_start3A_36] : memref<16x79x128xi32, #tpu.memory_space<hbm>> -> memref<1x79x128xi32, #tpu.memory_space<hbm>>
      %dma_start3A_38 = tpu.memref_squeeze %dma_start3A_37 : memref<1x79x128xi32, #tpu.memory_space<hbm>> -> memref<79x128xi32, #tpu.memory_space<hbm>>
      tpu.enqueue_dma source(%dma_start3A_38 : memref<79x128xi32, #tpu.memory_space<hbm>>) target(%arg9 : memref<79x128xi32, #tpu.memory_space<vmem>>) target_semaphore(%run_scoped3A : memref<!tpu.dma_semaphore, #tpu.memory_space<semaphore_mem>>)
      %dma_wait3A = arith.constant 0 : i32
      %dma_wait3A_39 = arith.constant 0 : i32
      %dma_wait3A_40 = tpu.memref_slice %arg4[%arg1, %dma_wait3A, %dma_wait3A_39] : memref<16x79x128xi32, #tpu.memory_space<hbm>> -> memref<1x79x128xi32, #tpu.memory_space<hbm>>
      %dma_wait3A_41 = tpu.memref_squeeze %dma_wait3A_40 : memref<1x79x128xi32, #tpu.memory_space<hbm>> -> memref<79x128xi32, #tpu.memory_space<hbm>>
      %dma_wait3A_42 = arith.constant 0 : i32
      %dma_wait3A_43 = arith.constant 0 : i32
      %dma_wait3A_44 = tpu.memref_slice %arg4[%arg1, %dma_wait3A_42, %dma_wait3A_43] : memref<16x79x128xi32, #tpu.memory_space<hbm>> -> memref<1x79x128xi32, #tpu.memory_space<hbm>>
      %dma_wait3A_45 = tpu.memref_squeeze %dma_wait3A_44 : memref<1x79x128xi32, #tpu.memory_space<hbm>> -> memref<79x128xi32, #tpu.memory_space<hbm>>
      tpu.wait_dma2 semaphore(%run_scoped3A : memref<!tpu.dma_semaphore, #tpu.memory_space<semaphore_mem>>) src(%dma_wait3A_45 : memref<79x128xi32, #tpu.memory_space<hbm>>) dst(%arg9 : memref<79x128xi32, #tpu.memory_space<vmem>>)
      tpu.yield
    }) : () -> ()
    %mul3A_1 = arith.constant 2 : i32
    %mul3A_2 = arith.muli %arg0, %mul3A_1 : i32
    %add3A = arith.constant 0 : i32
    %add3A_3 = arith.addi %mul3A_2, %add3A : i32
    %lt3A = arith.constant 3 : i32
    %lt3A_4 = arith.cmpi slt, %add3A_3, %lt3A : i32
    %convert_element_type3A = arith.extui %lt3A_4 : i1 to i32
    %cond3A = arith.constant 0 : i32
    %cond3A_5 = arith.cmpi ne, %convert_element_type3A, %cond3A : i32
    scf.if %cond3A_5 {
      %add3A_32 = arith.constant 0 : i32
      %add3A_33 = arith.addi %mul3A_0, %add3A_32 : i32
      "tpu.region"() ({
        %run_scoped3A = tpu.sem_alloc : memref<!tpu.dma_semaphore, #tpu.memory_space<semaphore_mem>>
        %dma_start3A = arith.constant 0 : i32
        %dma_start3A_42 = tpu.memref_slice %arg7[%add3A_33, %dma_start3A] : memref<10240x128xf32, #tpu.memory_space<vmem_shared>> -> memref<128x128xf32, #tpu.memory_space<vmem_shared>>
        tpu.enqueue_dma source(%arg5 : memref<128x128xf32, #tpu.memory_space<hbm>>) target(%dma_start3A_42 : memref<128x128xf32, #tpu.memory_space<vmem_shared>>) target_semaphore(%run_scoped3A : memref<!tpu.dma_semaphore, #tpu.memory_space<semaphore_mem>>)
        %dma_wait3A = arith.constant 0 : i32
        %dma_wait3A_43 = tpu.memref_slice %arg7[%add3A_33, %dma_wait3A] : memref<10240x128xf32, #tpu.memory_space<vmem_shared>> -> memref<128x128xf32, #tpu.memory_space<vmem_shared>>
        tpu.wait_dma2 semaphore(%run_scoped3A : memref<!tpu.dma_semaphore, #tpu.memory_space<semaphore_mem>>) src(%arg5 : memref<128x128xf32, #tpu.memory_space<hbm>>) dst(%dma_wait3A_43 : memref<128x128xf32, #tpu.memory_space<vmem_shared>>)
        tpu.yield
      }) : () -> ()
      %add3A_34 = arith.constant 128 : i32
      %add3A_35 = arith.addi %mul3A_0, %add3A_34 : i32
      "tpu.region"() ({
        %run_scoped3A = tpu.sem_alloc : memref<!tpu.dma_semaphore, #tpu.memory_space<semaphore_mem>>
        %dma_start3A = arith.constant 0 : i32
        %dma_start3A_42 = tpu.memref_slice %arg7[%add3A_35, %dma_start3A] : memref<10240x128xf32, #tpu.memory_space<vmem_shared>> -> memref<128x128xf32, #tpu.memory_space<vmem_shared>>
        tpu.enqueue_dma source(%arg5 : memref<128x128xf32, #tpu.memory_space<hbm>>) target(%dma_start3A_42 : memref<128x128xf32, #tpu.memory_space<vmem_shared>>) target_semaphore(%run_scoped3A : memref<!tpu.dma_semaphore, #tpu.memory_space<semaphore_mem>>)
        %dma_wait3A = arith.constant 0 : i32
        %dma_wait3A_43 = tpu.memref_slice %arg7[%add3A_35, %dma_wait3A] : memref<10240x128xf32, #tpu.memory_space<vmem_shared>> -> memref<128x128xf32, #tpu.memory_space<vmem_shared>>
        tpu.wait_dma2 semaphore(%run_scoped3A : memref<!tpu.dma_semaphore, #tpu.memory_space<semaphore_mem>>) src(%arg5 : memref<128x128xf32, #tpu.memory_space<hbm>>) dst(%dma_wait3A_43 : memref<128x128xf32, #tpu.memory_space<vmem_shared>>)
        tpu.yield
      }) : () -> ()
      %add3A_36 = arith.constant 256 : i32
      %add3A_37 = arith.addi %mul3A_0, %add3A_36 : i32
      "tpu.region"() ({
        %run_scoped3A = tpu.sem_alloc : memref<!tpu.dma_semaphore, #tpu.memory_space<semaphore_mem>>
        %dma_start3A = arith.constant 0 : i32
        %dma_start3A_42 = tpu.memref_slice %arg7[%add3A_37, %dma_start3A] : memref<10240x128xf32, #tpu.memory_space<vmem_shared>> -> memref<128x128xf32, #tpu.memory_space<vmem_shared>>
        tpu.enqueue_dma source(%arg5 : memref<128x128xf32, #tpu.memory_space<hbm>>) target(%dma_start3A_42 : memref<128x128xf32, #tpu.memory_space<vmem_shared>>) target_semaphore(%run_scoped3A : memref<!tpu.dma_semaphore, #tpu.memory_space<semaphore_mem>>)
        %dma_wait3A = arith.constant 0 : i32
        %dma_wait3A_43 = tpu.memref_slice %arg7[%add3A_37, %dma_wait3A] : memref<10240x128xf32, #tpu.memory_space<vmem_shared>> -> memref<128x128xf32, #tpu.memory_space<vmem_shared>>
        tpu.wait_dma2 semaphore(%run_scoped3A : memref<!tpu.dma_semaphore, #tpu.memory_space<semaphore_mem>>) src(%arg5 : memref<128x128xf32, #tpu.memory_space<hbm>>) dst(%dma_wait3A_43 : memref<128x128xf32, #tpu.memory_space<vmem_shared>>)
        tpu.yield
      }) : () -> ()
      %add3A_38 = arith.constant 384 : i32
      %add3A_39 = arith.addi %mul3A_0, %add3A_38 : i32
      "tpu.region"() ({
        %run_scoped3A = tpu.sem_alloc : memref<!tpu.dma_semaphore, #tpu.memory_space<semaphore_mem>>
        %dma_start3A = arith.constant 0 : i32
        %dma_start3A_42 = tpu.memref_slice %arg7[%add3A_39, %dma_start3A] : memref<10240x128xf32, #tpu.memory_space<vmem_shared>> -> memref<128x128xf32, #tpu.memory_space<vmem_shared>>
        tpu.enqueue_dma source(%arg5 : memref<128x128xf32, #tpu.memory_space<hbm>>) target(%dma_start3A_42 : memref<128x128xf32, #tpu.memory_space<vmem_shared>>) target_semaphore(%run_scoped3A : memref<!tpu.dma_semaphore, #tpu.memory_space<semaphore_mem>>)
        %dma_wait3A = arith.constant 0 : i32
        %dma_wait3A_43 = tpu.memref_slice %arg7[%add3A_39, %dma_wait3A] : memref<10240x128xf32, #tpu.memory_space<vmem_shared>> -> memref<128x128xf32, #tpu.memory_space<vmem_shared>>
        tpu.wait_dma2 semaphore(%run_scoped3A : memref<!tpu.dma_semaphore, #tpu.memory_space<semaphore_mem>>) src(%arg5 : memref<128x128xf32, #tpu.memory_space<hbm>>) dst(%dma_wait3A_43 : memref<128x128xf32, #tpu.memory_space<vmem_shared>>)
        tpu.yield
      }) : () -> ()
      %add3A_40 = arith.constant 512 : i32
      %add3A_41 = arith.addi %mul3A_0, %add3A_40 : i32
      "tpu.region"() ({
        %run_scoped3A = tpu.sem_alloc : memref<!tpu.dma_semaphore, #tpu.memory_space<semaphore_mem>>
        %dma_start3A = arith.constant 0 : i32
        %dma_start3A_42 = tpu.memref_slice %arg7[%add3A_41, %dma_start3A] : memref<10240x128xf32, #tpu.memory_space<vmem_shared>> -> memref<128x128xf32, #tpu.memory_space<vmem_shared>>
        tpu.enqueue_dma source(%arg5 : memref<128x128xf32, #tpu.memory_space<hbm>>) target(%dma_start3A_42 : memref<128x128xf32, #tpu.memory_space<vmem_shared>>) target_semaphore(%run_scoped3A : memref<!tpu.dma_semaphore, #tpu.memory_space<semaphore_mem>>)
        %dma_wait3A = arith.constant 0 : i32
        %dma_wait3A_43 = tpu.memref_slice %arg7[%add3A_41, %dma_wait3A] : memref<10240x128xf32, #tpu.memory_space<vmem_shared>> -> memref<128x128xf32, #tpu.memory_space<vmem_shared>>
        tpu.wait_dma2 semaphore(%run_scoped3A : memref<!tpu.dma_semaphore, #tpu.memory_space<semaphore_mem>>) src(%arg5 : memref<128x128xf32, #tpu.memory_space<hbm>>) dst(%dma_wait3A_43 : memref<128x128xf32, #tpu.memory_space<vmem_shared>>)
        tpu.yield
      }) : () -> ()
      "tpu.region"() ({
        %run_scoped3A = tpu.sem_alloc : memref<!tpu.dma_semaphore, #tpu.memory_space<semaphore_mem>>
        %dma_start3A = arith.constant 0 : i32
        %dma_start3A_42 = arith.constant 0 : i32
        %dma_start3A_43 = tpu.memref_slice %arg3[%add3A_3, %arg1, %dma_start3A, %dma_start3A_42] : memref<4x16x79x128xi32, #tpu.memory_space<hbm>> -> memref<1x1x79x128xi32, #tpu.memory_space<hbm>>
        %dma_start3A_44 = tpu.memref_squeeze %dma_start3A_43 : memref<1x1x79x128xi32, #tpu.memory_space<hbm>> -> memref<79x128xi32, #tpu.memory_space<hbm>>
        %dma_start3A_45 = arith.constant 0 : i32
        %dma_start3A_46 = arith.constant 0 : i32
        %dma_start3A_47 = tpu.memref_slice %arg3[%add3A_3, %arg1, %dma_start3A_45, %dma_start3A_46] : memref<4x16x79x128xi32, #tpu.memory_space<hbm>> -> memref<1x1x79x128xi32, #tpu.memory_space<hbm>>
        %dma_start3A_48 = tpu.memref_squeeze %dma_start3A_47 : memref<1x1x79x128xi32, #tpu.memory_space<hbm>> -> memref<79x128xi32, #tpu.memory_space<hbm>>
        tpu.enqueue_dma source(%dma_start3A_48 : memref<79x128xi32, #tpu.memory_space<hbm>>) target(%arg8 : memref<79x128xi32, #tpu.memory_space<vmem>>) target_semaphore(%run_scoped3A : memref<!tpu.dma_semaphore, #tpu.memory_space<semaphore_mem>>)
        %dma_wait3A = arith.constant 0 : i32
        %dma_wait3A_49 = arith.constant 0 : i32
        %dma_wait3A_50 = tpu.memref_slice %arg3[%add3A_3, %arg1, %dma_wait3A, %dma_wait3A_49] : memref<4x16x79x128xi32, #tpu.memory_space<hbm>> -> memref<1x1x79x128xi32, #tpu.memory_space<hbm>>
        %dma_wait3A_51 = tpu.memref_squeeze %dma_wait3A_50 : memref<1x1x79x128xi32, #tpu.memory_space<hbm>> -> memref<79x128xi32, #tpu.memory_space<hbm>>
        %dma_wait3A_52 = arith.constant 0 : i32
        %dma_wait3A_53 = arith.constant 0 : i32
        %dma_wait3A_54 = tpu.memref_slice %arg3[%add3A_3, %arg1, %dma_wait3A_52, %dma_wait3A_53] : memref<4x16x79x128xi32, #tpu.memory_space<hbm>> -> memref<1x1x79x128xi32, #tpu.memory_space<hbm>>
        %dma_wait3A_55 = tpu.memref_squeeze %dma_wait3A_54 : memref<1x1x79x128xi32, #tpu.memory_space<hbm>> -> memref<79x128xi32, #tpu.memory_space<hbm>>
        tpu.wait_dma2 semaphore(%run_scoped3A : memref<!tpu.dma_semaphore, #tpu.memory_space<semaphore_mem>>) src(%dma_wait3A_55 : memref<79x128xi32, #tpu.memory_space<hbm>>) dst(%arg8 : memref<79x128xi32, #tpu.memory_space<vmem>>)
        tpu.yield
      }) : () -> ()
    } else {
    }
    %barrier3A = arith.constant 0 : index
    tpu.barrier barrier_id(%barrier3A)
    %convert_element_type3A_6 = arith.extui %lt3A_4 : i1 to i32
    %cond3A_7 = arith.constant 0 : i32
    %cond3A_8 = arith.cmpi ne, %convert_element_type3A_6, %cond3A_7 : i32
    scf.if %cond3A_8 {
      %scan3A = arith.constant 0 : i32
      %scan3A_32 = arith.constant 0 : i32
      %scan3A_33 = arith.constant 79 : i32
      %scan3A_34 = arith.addi %scan3A_32, %scan3A_33 : i32
      %scan3A_35 = arith.constant 1 : i32
      %scan3A_36 = scf.for %scan3A_38 = %scan3A_32 to %scan3A_34 step %scan3A_35 iter_args(%scan3A_39 = %scan3A) -> (i32)  : i32 {
        "tpu.region"() ({
          %run_scoped3A = tpu.sem_alloc : memref<!tpu.dma_semaphore, #tpu.memory_space<semaphore_mem>>
          %dma_start3A = arith.constant 0 : i32
          %dma_start3A_41 = tpu.memref_slice %arg8[%scan3A_38, %dma_start3A] : memref<79x128xi32, #tpu.memory_space<vmem>> -> memref<1x128xi32, #tpu.memory_space<vmem>>
          %dma_start3A_42 = tpu.memref_squeeze %dma_start3A_41 : memref<1x128xi32, #tpu.memory_space<vmem>> -> memref<128xi32, #tpu.memory_space<vmem>>
          %dma_start3A_43 = arith.constant 0 : i32
          %dma_start3A_44 = arith.constant 0 : i32
          %dma_start3A_45 = tpu.memref_slice %arg2[%dma_start3A_43, %dma_start3A_44] : memref<30720x128xf32, #tpu.memory_space<hbm>> -> memref<30720x128xf32, #tpu.memory_space<hbm>>
          tpu.enqueue_indirect_dma source(%dma_start3A_45 : memref<30720x128xf32, #tpu.memory_space<hbm>>) target(%arg10 : memref<128x128xf32, #tpu.memory_space<vmem>>) offsets(%dma_start3A_42 : memref<128xi32, #tpu.memory_space<vmem>>) semaphore(%run_scoped3A : memref<!tpu.dma_semaphore, #tpu.memory_space<semaphore_mem>>)
          %dma_wait3A = arith.constant 0 : i32
          %dma_wait3A_46 = tpu.memref_slice %arg8[%scan3A_38, %dma_wait3A] : memref<79x128xi32, #tpu.memory_space<vmem>> -> memref<1x128xi32, #tpu.memory_space<vmem>>
          %dma_wait3A_47 = tpu.memref_squeeze %dma_wait3A_46 : memref<1x128xi32, #tpu.memory_space<vmem>> -> memref<128xi32, #tpu.memory_space<vmem>>
          %dma_wait3A_48 = arith.constant 0 : i32
          %dma_wait3A_49 = arith.constant 0 : i32
          %dma_wait3A_50 = tpu.memref_slice %arg2[%dma_wait3A_48, %dma_wait3A_49] : memref<30720x128xf32, #tpu.memory_space<hbm>> -> memref<30720x128xf32, #tpu.memory_space<hbm>>
          tpu.wait_indirect_dma semaphore(%run_scoped3A : memref<!tpu.dma_semaphore, #tpu.memory_space<semaphore_mem>>) src(%dma_wait3A_50 : memref<30720x128xf32, #tpu.memory_space<hbm>>) dst(%arg10 : memref<128x128xf32, #tpu.memory_space<vmem>>)
          tpu.yield
        }) : () -> ()
        "tpu.region"() ({
          %run_scoped3A = tpu.sem_alloc : memref<!tpu.dma_semaphore, #tpu.memory_space<semaphore_mem>>
          %dma_start3A = arith.constant 0 : i32
          %dma_start3A_41 = tpu.memref_slice %arg9[%scan3A_38, %dma_start3A] : memref<79x128xi32, #tpu.memory_space<vmem>> -> memref<1x128xi32, #tpu.memory_space<vmem>>
          %dma_start3A_42 = tpu.memref_squeeze %dma_start3A_41 : memref<1x128xi32, #tpu.memory_space<vmem>> -> memref<128xi32, #tpu.memory_space<vmem>>
          %dma_start3A_43 = arith.constant 0 : i32
          %dma_start3A_44 = arith.constant 0 : i32
          %dma_start3A_45 = tpu.memref_slice %arg7[%dma_start3A_43, %dma_start3A_44] : memref<10240x128xf32, #tpu.memory_space<vmem_shared>> -> memref<10240x128xf32, #tpu.memory_space<vmem_shared>>
          tpu.enqueue_indirect_dma source(%arg10 : memref<128x128xf32, #tpu.memory_space<vmem>>) target(%dma_start3A_45 : memref<10240x128xf32, #tpu.memory_space<vmem_shared>>) offsets(%dma_start3A_42 : memref<128xi32, #tpu.memory_space<vmem>>) semaphore(%run_scoped3A : memref<!tpu.dma_semaphore, #tpu.memory_space<semaphore_mem>>) {add = true}
          %dma_wait3A = arith.constant 0 : i32
          %dma_wait3A_46 = tpu.memref_slice %arg9[%scan3A_38, %dma_wait3A] : memref<79x128xi32, #tpu.memory_space<vmem>> -> memref<1x128xi32, #tpu.memory_space<vmem>>
          %dma_wait3A_47 = tpu.memref_squeeze %dma_wait3A_46 : memref<1x128xi32, #tpu.memory_space<vmem>> -> memref<128xi32, #tpu.memory_space<vmem>>
          %dma_wait3A_48 = arith.constant 0 : i32
          %dma_wait3A_49 = arith.constant 0 : i32
          %dma_wait3A_50 = tpu.memref_slice %arg7[%dma_wait3A_48, %dma_wait3A_49] : memref<10240x128xf32, #tpu.memory_space<vmem_shared>> -> memref<10240x128xf32, #tpu.memory_space<vmem_shared>>
          tpu.wait_indirect_dma semaphore(%run_scoped3A : memref<!tpu.dma_semaphore, #tpu.memory_space<semaphore_mem>>) src(%arg10 : memref<128x128xf32, #tpu.memory_space<vmem>>) dst(%dma_wait3A_50 : memref<10240x128xf32, #tpu.memory_space<vmem_shared>>)
          tpu.yield
        }) : () -> ()
        %scan3A_40 = arith.constant 0 : i32
        scf.yield %scan3A_40 : i32
      }
      %scan3A_37 = arith.constant 79 : i32
    } else {
    }
    %barrier3A_9 = arith.constant 0 : index
    tpu.barrier barrier_id(%barrier3A_9)
    %convert_element_type3A_10 = arith.extui %lt3A_4 : i1 to i32
    %cond3A_11 = arith.constant 0 : i32
    %cond3A_12 = arith.cmpi ne, %convert_element_type3A_10, %cond3A_11 : i32
    scf.if %cond3A_12 {
      "tpu.region"() ({
        %run_scoped3A = tpu.sem_alloc : memref<!tpu.dma_semaphore, #tpu.memory_space<semaphore_mem>>
        %dma_start3A = arith.constant 0 : i32
        %dma_start3A_32 = tpu.memref_slice %arg6[%add3A_3, %mul3A_0, %dma_start3A] : memref<4x10240x128xf32, #tpu.memory_space<hbm>> -> memref<1x640x128xf32, #tpu.memory_space<hbm>>
        %dma_start3A_33 = tpu.memref_squeeze %dma_start3A_32 : memref<1x640x128xf32, #tpu.memory_space<hbm>> -> memref<640x128xf32, #tpu.memory_space<hbm>>
        %dma_start3A_34 = arith.constant 0 : i32
        %dma_start3A_35 = tpu.memref_slice %arg7[%mul3A_0, %dma_start3A_34] : memref<10240x128xf32, #tpu.memory_space<vmem_shared>> -> memref<640x128xf32, #tpu.memory_space<vmem_shared>>
        tpu.enqueue_dma source(%dma_start3A_35 : memref<640x128xf32, #tpu.memory_space<vmem_shared>>) target(%dma_start3A_33 : memref<640x128xf32, #tpu.memory_space<hbm>>) target_semaphore(%run_scoped3A : memref<!tpu.dma_semaphore, #tpu.memory_space<semaphore_mem>>)
        %dma_wait3A = arith.constant 0 : i32
        %dma_wait3A_36 = tpu.memref_slice %arg6[%add3A_3, %mul3A_0, %dma_wait3A] : memref<4x10240x128xf32, #tpu.memory_space<hbm>> -> memref<1x640x128xf32, #tpu.memory_space<hbm>>
        %dma_wait3A_37 = tpu.memref_squeeze %dma_wait3A_36 : memref<1x640x128xf32, #tpu.memory_space<hbm>> -> memref<640x128xf32, #tpu.memory_space<hbm>>
        %dma_wait3A_38 = arith.constant 0 : i32
        %dma_wait3A_39 = tpu.memref_slice %arg7[%mul3A_0, %dma_wait3A_38] : memref<10240x128xf32, #tpu.memory_space<vmem_shared>> -> memref<640x128xf32, #tpu.memory_space<vmem_shared>>
        tpu.wait_dma2 semaphore(%run_scoped3A : memref<!tpu.dma_semaphore, #tpu.memory_space<semaphore_mem>>) src(%dma_wait3A_39 : memref<640x128xf32, #tpu.memory_space<vmem_shared>>) dst(%dma_wait3A_37 : memref<640x128xf32, #tpu.memory_space<hbm>>)
        tpu.yield
      }) : () -> ()
    } else {
    }
    %barrier3A_13 = arith.constant 0 : index
    tpu.barrier barrier_id(%barrier3A_13)
    %mul3A_14 = arith.constant 2 : i32
    %mul3A_15 = arith.muli %arg0, %mul3A_14 : i32
    %add3A_16 = arith.constant 1 : i32
    %add3A_17 = arith.addi %mul3A_15, %add3A_16 : i32
    %lt3A_18 = arith.constant 3 : i32
    %lt3A_19 = arith.cmpi slt, %add3A_17, %lt3A_18 : i32
    %convert_element_type3A_20 = arith.extui %lt3A_19 : i1 to i32
    %cond3A_21 = arith.constant 0 : i32
    %cond3A_22 = arith.cmpi ne, %convert_element_type3A_20, %cond3A_21 : i32
    scf.if %cond3A_22 {
      %add3A_32 = arith.constant 0 : i32
      %add3A_33 = arith.addi %mul3A_0, %add3A_32 : i32
      "tpu.region"() ({
        %run_scoped3A = tpu.sem_alloc : memref<!tpu.dma_semaphore, #tpu.memory_space<semaphore_mem>>
        %dma_start3A = arith.constant 0 : i32
        %dma_start3A_42 = tpu.memref_slice %arg7[%add3A_33, %dma_start3A] : memref<10240x128xf32, #tpu.memory_space<vmem_shared>> -> memref<128x128xf32, #tpu.memory_space<vmem_shared>>
        tpu.enqueue_dma source(%arg5 : memref<128x128xf32, #tpu.memory_space<hbm>>) target(%dma_start3A_42 : memref<128x128xf32, #tpu.memory_space<vmem_shared>>) target_semaphore(%run_scoped3A : memref<!tpu.dma_semaphore, #tpu.memory_space<semaphore_mem>>)
        %dma_wait3A = arith.constant 0 : i32
        %dma_wait3A_43 = tpu.memref_slice %arg7[%add3A_33, %dma_wait3A] : memref<10240x128xf32, #tpu.memory_space<vmem_shared>> -> memref<128x128xf32, #tpu.memory_space<vmem_shared>>
        tpu.wait_dma2 semaphore(%run_scoped3A : memref<!tpu.dma_semaphore, #tpu.memory_space<semaphore_mem>>) src(%arg5 : memref<128x128xf32, #tpu.memory_space<hbm>>) dst(%dma_wait3A_43 : memref<128x128xf32, #tpu.memory_space<vmem_shared>>)
        tpu.yield
      }) : () -> ()
      %add3A_34 = arith.constant 128 : i32
      %add3A_35 = arith.addi %mul3A_0, %add3A_34 : i32
      "tpu.region"() ({
        %run_scoped3A = tpu.sem_alloc : memref<!tpu.dma_semaphore, #tpu.memory_space<semaphore_mem>>
        %dma_start3A = arith.constant 0 : i32
        %dma_start3A_42 = tpu.memref_slice %arg7[%add3A_35, %dma_start3A] : memref<10240x128xf32, #tpu.memory_space<vmem_shared>> -> memref<128x128xf32, #tpu.memory_space<vmem_shared>>
        tpu.enqueue_dma source(%arg5 : memref<128x128xf32, #tpu.memory_space<hbm>>) target(%dma_start3A_42 : memref<128x128xf32, #tpu.memory_space<vmem_shared>>) target_semaphore(%run_scoped3A : memref<!tpu.dma_semaphore, #tpu.memory_space<semaphore_mem>>)
        %dma_wait3A = arith.constant 0 : i32
        %dma_wait3A_43 = tpu.memref_slice %arg7[%add3A_35, %dma_wait3A] : memref<10240x128xf32, #tpu.memory_space<vmem_shared>> -> memref<128x128xf32, #tpu.memory_space<vmem_shared>>
        tpu.wait_dma2 semaphore(%run_scoped3A : memref<!tpu.dma_semaphore, #tpu.memory_space<semaphore_mem>>) src(%arg5 : memref<128x128xf32, #tpu.memory_space<hbm>>) dst(%dma_wait3A_43 : memref<128x128xf32, #tpu.memory_space<vmem_shared>>)
        tpu.yield
      }) : () -> ()
      %add3A_36 = arith.constant 256 : i32
      %add3A_37 = arith.addi %mul3A_0, %add3A_36 : i32
      "tpu.region"() ({
        %run_scoped3A = tpu.sem_alloc : memref<!tpu.dma_semaphore, #tpu.memory_space<semaphore_mem>>
        %dma_start3A = arith.constant 0 : i32
        %dma_start3A_42 = tpu.memref_slice %arg7[%add3A_37, %dma_start3A] : memref<10240x128xf32, #tpu.memory_space<vmem_shared>> -> memref<128x128xf32, #tpu.memory_space<vmem_shared>>
        tpu.enqueue_dma source(%arg5 : memref<128x128xf32, #tpu.memory_space<hbm>>) target(%dma_start3A_42 : memref<128x128xf32, #tpu.memory_space<vmem_shared>>) target_semaphore(%run_scoped3A : memref<!tpu.dma_semaphore, #tpu.memory_space<semaphore_mem>>)
        %dma_wait3A = arith.constant 0 : i32
        %dma_wait3A_43 = tpu.memref_slice %arg7[%add3A_37, %dma_wait3A] : memref<10240x128xf32, #tpu.memory_space<vmem_shared>> -> memref<128x128xf32, #tpu.memory_space<vmem_shared>>
        tpu.wait_dma2 semaphore(%run_scoped3A : memref<!tpu.dma_semaphore, #tpu.memory_space<semaphore_mem>>) src(%arg5 : memref<128x128xf32, #tpu.memory_space<hbm>>) dst(%dma_wait3A_43 : memref<128x128xf32, #tpu.memory_space<vmem_shared>>)
        tpu.yield
      }) : () -> ()
      %add3A_38 = arith.constant 384 : i32
      %add3A_39 = arith.addi %mul3A_0, %add3A_38 : i32
      "tpu.region"() ({
        %run_scoped3A = tpu.sem_alloc : memref<!tpu.dma_semaphore, #tpu.memory_space<semaphore_mem>>
        %dma_start3A = arith.constant 0 : i32
        %dma_start3A_42 = tpu.memref_slice %arg7[%add3A_39, %dma_start3A] : memref<10240x128xf32, #tpu.memory_space<vmem_shared>> -> memref<128x128xf32, #tpu.memory_space<vmem_shared>>
        tpu.enqueue_dma source(%arg5 : memref<128x128xf32, #tpu.memory_space<hbm>>) target(%dma_start3A_42 : memref<128x128xf32, #tpu.memory_space<vmem_shared>>) target_semaphore(%run_scoped3A : memref<!tpu.dma_semaphore, #tpu.memory_space<semaphore_mem>>)
        %dma_wait3A = arith.constant 0 : i32
        %dma_wait3A_43 = tpu.memref_slice %arg7[%add3A_39, %dma_wait3A] : memref<10240x128xf32, #tpu.memory_space<vmem_shared>> -> memref<128x128xf32, #tpu.memory_space<vmem_shared>>
        tpu.wait_dma2 semaphore(%run_scoped3A : memref<!tpu.dma_semaphore, #tpu.memory_space<semaphore_mem>>) src(%arg5 : memref<128x128xf32, #tpu.memory_space<hbm>>) dst(%dma_wait3A_43 : memref<128x128xf32, #tpu.memory_space<vmem_shared>>)
        tpu.yield
      }) : () -> ()
      %add3A_40 = arith.constant 512 : i32
      %add3A_41 = arith.addi %mul3A_0, %add3A_40 : i32
      "tpu.region"() ({
        %run_scoped3A = tpu.sem_alloc : memref<!tpu.dma_semaphore, #tpu.memory_space<semaphore_mem>>
        %dma_start3A = arith.constant 0 : i32
        %dma_start3A_42 = tpu.memref_slice %arg7[%add3A_41, %dma_start3A] : memref<10240x128xf32, #tpu.memory_space<vmem_shared>> -> memref<128x128xf32, #tpu.memory_space<vmem_shared>>
        tpu.enqueue_dma source(%arg5 : memref<128x128xf32, #tpu.memory_space<hbm>>) target(%dma_start3A_42 : memref<128x128xf32, #tpu.memory_space<vmem_shared>>) target_semaphore(%run_scoped3A : memref<!tpu.dma_semaphore, #tpu.memory_space<semaphore_mem>>)
        %dma_wait3A = arith.constant 0 : i32
        %dma_wait3A_43 = tpu.memref_slice %arg7[%add3A_41, %dma_wait3A] : memref<10240x128xf32, #tpu.memory_space<vmem_shared>> -> memref<128x128xf32, #tpu.memory_space<vmem_shared>>
        tpu.wait_dma2 semaphore(%run_scoped3A : memref<!tpu.dma_semaphore, #tpu.memory_space<semaphore_mem>>) src(%arg5 : memref<128x128xf32, #tpu.memory_space<hbm>>) dst(%dma_wait3A_43 : memref<128x128xf32, #tpu.memory_space<vmem_shared>>)
        tpu.yield
      }) : () -> ()
      "tpu.region"() ({
        %run_scoped3A = tpu.sem_alloc : memref<!tpu.dma_semaphore, #tpu.memory_space<semaphore_mem>>
        %dma_start3A = arith.constant 0 : i32
        %dma_start3A_42 = arith.constant 0 : i32
        %dma_start3A_43 = tpu.memref_slice %arg3[%add3A_17, %arg1, %dma_start3A, %dma_start3A_42] : memref<4x16x79x128xi32, #tpu.memory_space<hbm>> -> memref<1x1x79x128xi32, #tpu.memory_space<hbm>>
        %dma_start3A_44 = tpu.memref_squeeze %dma_start3A_43 : memref<1x1x79x128xi32, #tpu.memory_space<hbm>> -> memref<79x128xi32, #tpu.memory_space<hbm>>
        %dma_start3A_45 = arith.constant 0 : i32
        %dma_start3A_46 = arith.constant 0 : i32
        %dma_start3A_47 = tpu.memref_slice %arg3[%add3A_17, %arg1, %dma_start3A_45, %dma_start3A_46] : memref<4x16x79x128xi32, #tpu.memory_space<hbm>> -> memref<1x1x79x128xi32, #tpu.memory_space<hbm>>
        %dma_start3A_48 = tpu.memref_squeeze %dma_start3A_47 : memref<1x1x79x128xi32, #tpu.memory_space<hbm>> -> memref<79x128xi32, #tpu.memory_space<hbm>>
        tpu.enqueue_dma source(%dma_start3A_48 : memref<79x128xi32, #tpu.memory_space<hbm>>) target(%arg8 : memref<79x128xi32, #tpu.memory_space<vmem>>) target_semaphore(%run_scoped3A : memref<!tpu.dma_semaphore, #tpu.memory_space<semaphore_mem>>)
        %dma_wait3A = arith.constant 0 : i32
        %dma_wait3A_49 = arith.constant 0 : i32
        %dma_wait3A_50 = tpu.memref_slice %arg3[%add3A_17, %arg1, %dma_wait3A, %dma_wait3A_49] : memref<4x16x79x128xi32, #tpu.memory_space<hbm>> -> memref<1x1x79x128xi32, #tpu.memory_space<hbm>>
        %dma_wait3A_51 = tpu.memref_squeeze %dma_wait3A_50 : memref<1x1x79x128xi32, #tpu.memory_space<hbm>> -> memref<79x128xi32, #tpu.memory_space<hbm>>
        %dma_wait3A_52 = arith.constant 0 : i32
        %dma_wait3A_53 = arith.constant 0 : i32
        %dma_wait3A_54 = tpu.memref_slice %arg3[%add3A_17, %arg1, %dma_wait3A_52, %dma_wait3A_53] : memref<4x16x79x128xi32, #tpu.memory_space<hbm>> -> memref<1x1x79x128xi32, #tpu.memory_space<hbm>>
        %dma_wait3A_55 = tpu.memref_squeeze %dma_wait3A_54 : memref<1x1x79x128xi32, #tpu.memory_space<hbm>> -> memref<79x128xi32, #tpu.memory_space<hbm>>
        tpu.wait_dma2 semaphore(%run_scoped3A : memref<!tpu.dma_semaphore, #tpu.memory_space<semaphore_mem>>) src(%dma_wait3A_55 : memref<79x128xi32, #tpu.memory_space<hbm>>) dst(%arg8 : memref<79x128xi32, #tpu.memory_space<vmem>>)
        tpu.yield
      }) : () -> ()
    } else {
    }
    %barrier3A_23 = arith.constant 0 : index
    tpu.barrier barrier_id(%barrier3A_23)
    %convert_element_type3A_24 = arith.extui %lt3A_19 : i1 to i32
    %cond3A_25 = arith.constant 0 : i32
    %cond3A_26 = arith.cmpi ne, %convert_element_type3A_24, %cond3A_25 : i32
    scf.if %cond3A_26 {
      %scan3A = arith.constant 0 : i32
      %scan3A_32 = arith.constant 0 : i32
      %scan3A_33 = arith.constant 79 : i32
      %scan3A_34 = arith.addi %scan3A_32, %scan3A_33 : i32
      %scan3A_35 = arith.constant 1 : i32
      %scan3A_36 = scf.for %scan3A_38 = %scan3A_32 to %scan3A_34 step %scan3A_35 iter_args(%scan3A_39 = %scan3A) -> (i32)  : i32 {
        "tpu.region"() ({
          %run_scoped3A = tpu.sem_alloc : memref<!tpu.dma_semaphore, #tpu.memory_space<semaphore_mem>>
          %dma_start3A = arith.constant 0 : i32
          %dma_start3A_41 = tpu.memref_slice %arg8[%scan3A_38, %dma_start3A] : memref<79x128xi32, #tpu.memory_space<vmem>> -> memref<1x128xi32, #tpu.memory_space<vmem>>
          %dma_start3A_42 = tpu.memref_squeeze %dma_start3A_41 : memref<1x128xi32, #tpu.memory_space<vmem>> -> memref<128xi32, #tpu.memory_space<vmem>>
          %dma_start3A_43 = arith.constant 0 : i32
          %dma_start3A_44 = arith.constant 0 : i32
          %dma_start3A_45 = tpu.memref_slice %arg2[%dma_start3A_43, %dma_start3A_44] : memref<30720x128xf32, #tpu.memory_space<hbm>> -> memref<30720x128xf32, #tpu.memory_space<hbm>>
          tpu.enqueue_indirect_dma source(%dma_start3A_45 : memref<30720x128xf32, #tpu.memory_space<hbm>>) target(%arg10 : memref<128x128xf32, #tpu.memory_space<vmem>>) offsets(%dma_start3A_42 : memref<128xi32, #tpu.memory_space<vmem>>) semaphore(%run_scoped3A : memref<!tpu.dma_semaphore, #tpu.memory_space<semaphore_mem>>)
          %dma_wait3A = arith.constant 0 : i32
          %dma_wait3A_46 = tpu.memref_slice %arg8[%scan3A_38, %dma_wait3A] : memref<79x128xi32, #tpu.memory_space<vmem>> -> memref<1x128xi32, #tpu.memory_space<vmem>>
          %dma_wait3A_47 = tpu.memref_squeeze %dma_wait3A_46 : memref<1x128xi32, #tpu.memory_space<vmem>> -> memref<128xi32, #tpu.memory_space<vmem>>
          %dma_wait3A_48 = arith.constant 0 : i32
          %dma_wait3A_49 = arith.constant 0 : i32
          %dma_wait3A_50 = tpu.memref_slice %arg2[%dma_wait3A_48, %dma_wait3A_49] : memref<30720x128xf32, #tpu.memory_space<hbm>> -> memref<30720x128xf32, #tpu.memory_space<hbm>>
          tpu.wait_indirect_dma semaphore(%run_scoped3A : memref<!tpu.dma_semaphore, #tpu.memory_space<semaphore_mem>>) src(%dma_wait3A_50 : memref<30720x128xf32, #tpu.memory_space<hbm>>) dst(%arg10 : memref<128x128xf32, #tpu.memory_space<vmem>>)
          tpu.yield
        }) : () -> ()
        "tpu.region"() ({
          %run_scoped3A = tpu.sem_alloc : memref<!tpu.dma_semaphore, #tpu.memory_space<semaphore_mem>>
          %dma_start3A = arith.constant 0 : i32
          %dma_start3A_41 = tpu.memref_slice %arg9[%scan3A_38, %dma_start3A] : memref<79x128xi32, #tpu.memory_space<vmem>> -> memref<1x128xi32, #tpu.memory_space<vmem>>
          %dma_start3A_42 = tpu.memref_squeeze %dma_start3A_41 : memref<1x128xi32, #tpu.memory_space<vmem>> -> memref<128xi32, #tpu.memory_space<vmem>>
          %dma_start3A_43 = arith.constant 0 : i32
          %dma_start3A_44 = arith.constant 0 : i32
          %dma_start3A_45 = tpu.memref_slice %arg7[%dma_start3A_43, %dma_start3A_44] : memref<10240x128xf32, #tpu.memory_space<vmem_shared>> -> memref<10240x128xf32, #tpu.memory_space<vmem_shared>>
          tpu.enqueue_indirect_dma source(%arg10 : memref<128x128xf32, #tpu.memory_space<vmem>>) target(%dma_start3A_45 : memref<10240x128xf32, #tpu.memory_space<vmem_shared>>) offsets(%dma_start3A_42 : memref<128xi32, #tpu.memory_space<vmem>>) semaphore(%run_scoped3A : memref<!tpu.dma_semaphore, #tpu.memory_space<semaphore_mem>>) {add = true}
          %dma_wait3A = arith.constant 0 : i32
          %dma_wait3A_46 = tpu.memref_slice %arg9[%scan3A_38, %dma_wait3A] : memref<79x128xi32, #tpu.memory_space<vmem>> -> memref<1x128xi32, #tpu.memory_space<vmem>>
          %dma_wait3A_47 = tpu.memref_squeeze %dma_wait3A_46 : memref<1x128xi32, #tpu.memory_space<vmem>> -> memref<128xi32, #tpu.memory_space<vmem>>
          %dma_wait3A_48 = arith.constant 0 : i32
          %dma_wait3A_49 = arith.constant 0 : i32
          %dma_wait3A_50 = tpu.memref_slice %arg7[%dma_wait3A_48, %dma_wait3A_49] : memref<10240x128xf32, #tpu.memory_space<vmem_shared>> -> memref<10240x128xf32, #tpu.memory_space<vmem_shared>>
          tpu.wait_indirect_dma semaphore(%run_scoped3A : memref<!tpu.dma_semaphore, #tpu.memory_space<semaphore_mem>>) src(%arg10 : memref<128x128xf32, #tpu.memory_space<vmem>>) dst(%dma_wait3A_50 : memref<10240x128xf32, #tpu.memory_space<vmem_shared>>)
          tpu.yield
        }) : () -> ()
        %scan3A_40 = arith.constant 0 : i32
        scf.yield %scan3A_40 : i32
      }
      %scan3A_37 = arith.constant 79 : i32
    } else {
    }
    %barrier3A_27 = arith.constant 0 : index
    tpu.barrier barrier_id(%barrier3A_27)
    %convert_element_type3A_28 = arith.extui %lt3A_19 : i1 to i32
    %cond3A_29 = arith.constant 0 : i32
    %cond3A_30 = arith.cmpi ne, %convert_element_type3A_28, %cond3A_29 : i32
    scf.if %cond3A_30 {
      "tpu.region"() ({
        %run_scoped3A = tpu.sem_alloc : memref<!tpu.dma_semaphore, #tpu.memory_space<semaphore_mem>>
        %dma_start3A = arith.constant 0 : i32
        %dma_start3A_32 = tpu.memref_slice %arg6[%add3A_17, %mul3A_0, %dma_start3A] : memref<4x10240x128xf32, #tpu.memory_space<hbm>> -> memref<1x640x128xf32, #tpu.memory_space<hbm>>
        %dma_start3A_33 = tpu.memref_squeeze %dma_start3A_32 : memref<1x640x128xf32, #tpu.memory_space<hbm>> -> memref<640x128xf32, #tpu.memory_space<hbm>>
        %dma_start3A_34 = arith.constant 0 : i32
        %dma_start3A_35 = tpu.memref_slice %arg7[%mul3A_0, %dma_start3A_34] : memref<10240x128xf32, #tpu.memory_space<vmem_shared>> -> memref<640x128xf32, #tpu.memory_space<vmem_shared>>
        tpu.enqueue_dma source(%dma_start3A_35 : memref<640x128xf32, #tpu.memory_space<vmem_shared>>) target(%dma_start3A_33 : memref<640x128xf32, #tpu.memory_space<hbm>>) target_semaphore(%run_scoped3A : memref<!tpu.dma_semaphore, #tpu.memory_space<semaphore_mem>>)
        %dma_wait3A = arith.constant 0 : i32
        %dma_wait3A_36 = tpu.memref_slice %arg6[%add3A_17, %mul3A_0, %dma_wait3A] : memref<4x10240x128xf32, #tpu.memory_space<hbm>> -> memref<1x640x128xf32, #tpu.memory_space<hbm>>
        %dma_wait3A_37 = tpu.memref_squeeze %dma_wait3A_36 : memref<1x640x128xf32, #tpu.memory_space<hbm>> -> memref<640x128xf32, #tpu.memory_space<hbm>>
        %dma_wait3A_38 = arith.constant 0 : i32
        %dma_wait3A_39 = tpu.memref_slice %arg7[%mul3A_0, %dma_wait3A_38] : memref<10240x128xf32, #tpu.memory_space<vmem_shared>> -> memref<640x128xf32, #tpu.memory_space<vmem_shared>>
        tpu.wait_dma2 semaphore(%run_scoped3A : memref<!tpu.dma_semaphore, #tpu.memory_space<semaphore_mem>>) src(%dma_wait3A_39 : memref<640x128xf32, #tpu.memory_space<vmem_shared>>) dst(%dma_wait3A_37 : memref<640x128xf32, #tpu.memory_space<hbm>>)
        tpu.yield
      }) : () -> ()
    } else {
    }
    %barrier3A_31 = arith.constant 0 : index
    tpu.barrier barrier_id(%barrier3A_31)
    return
  }
}

#map = affine_map<(d0, d1) -> (0, 0)>
#map1 = affine_map<(d0, d1) -> (0, 0, 0, 0)>
#map2 = affine_map<(d0, d1) -> (0, 0, 0)>
module attributes {stable_mosaic.version = 14 : i64} {
  func.func @_sc_agg_body(%arg0: i32, %arg1: i32, %arg2: memref<81920x128xf32, #tpu.memory_space<hbm>>, %arg3: memref<8x16x79x128xi32, #tpu.memory_space<hbm>>, %arg4: memref<16x79x128xi32, #tpu.memory_space<hbm>>, %arg5: memref<128x128xf32, #tpu.memory_space<hbm>>, %arg6: memref<8x10240x128xf32, #tpu.memory_space<hbm>>, %arg7: memref<10240x128xf32, #tpu.memory_space<vmem_shared>>, %arg8: memref<79x128xi32, #tpu.memory_space<vmem>>, %arg9: memref<79x128xi32, #tpu.memory_space<vmem>>, %arg10: memref<128x128xf32, #tpu.memory_space<vmem>>) attributes {dimension_semantics = [#tpu.dimension_semantics<core_parallel>, #tpu.dimension_semantics<subcore_parallel>], iteration_bounds = array<i64: 2, 16>, scalar_prefetch = 0 : i64, scratch_operands = 4 : i64, tpu.core_type = #tpu.core_type<sc_vector_subcore>, window_params = [{transform_indices = #map}, {transform_indices = #map1}, {transform_indices = #map2}, {transform_indices = #map}, {transform_indices = #map2}]} {
    %mul3A = arith.constant 640 : i32
    %mul3A_0 = arith.muli %arg1, %mul3A : i32
    "tpu.region"() ({
      %run_scoped3A = tpu.sem_alloc : memref<!tpu.dma_semaphore, #tpu.memory_space<semaphore_mem>>
      %dma_start3A = arith.constant 0 : i32
      %dma_start3A_101 = arith.constant 0 : i32
      %dma_start3A_102 = tpu.memref_slice %arg4[%arg1, %dma_start3A, %dma_start3A_101] : memref<16x79x128xi32, #tpu.memory_space<hbm>> -> memref<1x79x128xi32, #tpu.memory_space<hbm>>
      %dma_start3A_103 = tpu.memref_squeeze %dma_start3A_102 : memref<1x79x128xi32, #tpu.memory_space<hbm>> -> memref<79x128xi32, #tpu.memory_space<hbm>>
      %dma_start3A_104 = arith.constant 0 : i32
      %dma_start3A_105 = arith.constant 0 : i32
      %dma_start3A_106 = tpu.memref_slice %arg4[%arg1, %dma_start3A_104, %dma_start3A_105] : memref<16x79x128xi32, #tpu.memory_space<hbm>> -> memref<1x79x128xi32, #tpu.memory_space<hbm>>
      %dma_start3A_107 = tpu.memref_squeeze %dma_start3A_106 : memref<1x79x128xi32, #tpu.memory_space<hbm>> -> memref<79x128xi32, #tpu.memory_space<hbm>>
      tpu.enqueue_dma source(%dma_start3A_107 : memref<79x128xi32, #tpu.memory_space<hbm>>) target(%arg9 : memref<79x128xi32, #tpu.memory_space<vmem>>) target_semaphore(%run_scoped3A : memref<!tpu.dma_semaphore, #tpu.memory_space<semaphore_mem>>)
      %dma_wait3A = arith.constant 0 : i32
      %dma_wait3A_108 = arith.constant 0 : i32
      %dma_wait3A_109 = tpu.memref_slice %arg4[%arg1, %dma_wait3A, %dma_wait3A_108] : memref<16x79x128xi32, #tpu.memory_space<hbm>> -> memref<1x79x128xi32, #tpu.memory_space<hbm>>
      %dma_wait3A_110 = tpu.memref_squeeze %dma_wait3A_109 : memref<1x79x128xi32, #tpu.memory_space<hbm>> -> memref<79x128xi32, #tpu.memory_space<hbm>>
      %dma_wait3A_111 = arith.constant 0 : i32
      %dma_wait3A_112 = arith.constant 0 : i32
      %dma_wait3A_113 = tpu.memref_slice %arg4[%arg1, %dma_wait3A_111, %dma_wait3A_112] : memref<16x79x128xi32, #tpu.memory_space<hbm>> -> memref<1x79x128xi32, #tpu.memory_space<hbm>>
      %dma_wait3A_114 = tpu.memref_squeeze %dma_wait3A_113 : memref<1x79x128xi32, #tpu.memory_space<hbm>> -> memref<79x128xi32, #tpu.memory_space<hbm>>
      tpu.wait_dma2 semaphore(%run_scoped3A : memref<!tpu.dma_semaphore, #tpu.memory_space<semaphore_mem>>) src(%dma_wait3A_114 : memref<79x128xi32, #tpu.memory_space<hbm>>) dst(%arg9 : memref<79x128xi32, #tpu.memory_space<vmem>>)
      tpu.yield
    }) : () -> ()
    %mul3A_1 = arith.constant 4 : i32
    %mul3A_2 = arith.muli %arg0, %mul3A_1 : i32
    %add3A = arith.constant 0 : i32
    %add3A_3 = arith.addi %mul3A_2, %add3A : i32
    %lt3A = arith.constant 8 : i32
    %lt3A_4 = arith.cmpi slt, %add3A_3, %lt3A : i32
    %add3A_5 = arith.constant 0 : i32
    %add3A_6 = arith.addi %mul3A_0, %add3A_5 : i32
    "tpu.region"() ({
      %run_scoped3A = tpu.sem_alloc : memref<!tpu.dma_semaphore, #tpu.memory_space<semaphore_mem>>
      %dma_start3A = arith.constant 0 : i32
      %dma_start3A_101 = tpu.memref_slice %arg7[%add3A_6, %dma_start3A] : memref<10240x128xf32, #tpu.memory_space<vmem_shared>> -> memref<128x128xf32, #tpu.memory_space<vmem_shared>>
      tpu.enqueue_dma source(%arg5 : memref<128x128xf32, #tpu.memory_space<hbm>>) target(%dma_start3A_101 : memref<128x128xf32, #tpu.memory_space<vmem_shared>>) target_semaphore(%run_scoped3A : memref<!tpu.dma_semaphore, #tpu.memory_space<semaphore_mem>>)
      %dma_wait3A = arith.constant 0 : i32
      %dma_wait3A_102 = tpu.memref_slice %arg7[%add3A_6, %dma_wait3A] : memref<10240x128xf32, #tpu.memory_space<vmem_shared>> -> memref<128x128xf32, #tpu.memory_space<vmem_shared>>
      tpu.wait_dma2 semaphore(%run_scoped3A : memref<!tpu.dma_semaphore, #tpu.memory_space<semaphore_mem>>) src(%arg5 : memref<128x128xf32, #tpu.memory_space<hbm>>) dst(%dma_wait3A_102 : memref<128x128xf32, #tpu.memory_space<vmem_shared>>)
      tpu.yield
    }) : () -> ()
    %add3A_7 = arith.constant 128 : i32
    %add3A_8 = arith.addi %mul3A_0, %add3A_7 : i32
    "tpu.region"() ({
      %run_scoped3A = tpu.sem_alloc : memref<!tpu.dma_semaphore, #tpu.memory_space<semaphore_mem>>
      %dma_start3A = arith.constant 0 : i32
      %dma_start3A_101 = tpu.memref_slice %arg7[%add3A_8, %dma_start3A] : memref<10240x128xf32, #tpu.memory_space<vmem_shared>> -> memref<128x128xf32, #tpu.memory_space<vmem_shared>>
      tpu.enqueue_dma source(%arg5 : memref<128x128xf32, #tpu.memory_space<hbm>>) target(%dma_start3A_101 : memref<128x128xf32, #tpu.memory_space<vmem_shared>>) target_semaphore(%run_scoped3A : memref<!tpu.dma_semaphore, #tpu.memory_space<semaphore_mem>>)
      %dma_wait3A = arith.constant 0 : i32
      %dma_wait3A_102 = tpu.memref_slice %arg7[%add3A_8, %dma_wait3A] : memref<10240x128xf32, #tpu.memory_space<vmem_shared>> -> memref<128x128xf32, #tpu.memory_space<vmem_shared>>
      tpu.wait_dma2 semaphore(%run_scoped3A : memref<!tpu.dma_semaphore, #tpu.memory_space<semaphore_mem>>) src(%arg5 : memref<128x128xf32, #tpu.memory_space<hbm>>) dst(%dma_wait3A_102 : memref<128x128xf32, #tpu.memory_space<vmem_shared>>)
      tpu.yield
    }) : () -> ()
    %add3A_9 = arith.constant 256 : i32
    %add3A_10 = arith.addi %mul3A_0, %add3A_9 : i32
    "tpu.region"() ({
      %run_scoped3A = tpu.sem_alloc : memref<!tpu.dma_semaphore, #tpu.memory_space<semaphore_mem>>
      %dma_start3A = arith.constant 0 : i32
      %dma_start3A_101 = tpu.memref_slice %arg7[%add3A_10, %dma_start3A] : memref<10240x128xf32, #tpu.memory_space<vmem_shared>> -> memref<128x128xf32, #tpu.memory_space<vmem_shared>>
      tpu.enqueue_dma source(%arg5 : memref<128x128xf32, #tpu.memory_space<hbm>>) target(%dma_start3A_101 : memref<128x128xf32, #tpu.memory_space<vmem_shared>>) target_semaphore(%run_scoped3A : memref<!tpu.dma_semaphore, #tpu.memory_space<semaphore_mem>>)
      %dma_wait3A = arith.constant 0 : i32
      %dma_wait3A_102 = tpu.memref_slice %arg7[%add3A_10, %dma_wait3A] : memref<10240x128xf32, #tpu.memory_space<vmem_shared>> -> memref<128x128xf32, #tpu.memory_space<vmem_shared>>
      tpu.wait_dma2 semaphore(%run_scoped3A : memref<!tpu.dma_semaphore, #tpu.memory_space<semaphore_mem>>) src(%arg5 : memref<128x128xf32, #tpu.memory_space<hbm>>) dst(%dma_wait3A_102 : memref<128x128xf32, #tpu.memory_space<vmem_shared>>)
      tpu.yield
    }) : () -> ()
    %add3A_11 = arith.constant 384 : i32
    %add3A_12 = arith.addi %mul3A_0, %add3A_11 : i32
    "tpu.region"() ({
      %run_scoped3A = tpu.sem_alloc : memref<!tpu.dma_semaphore, #tpu.memory_space<semaphore_mem>>
      %dma_start3A = arith.constant 0 : i32
      %dma_start3A_101 = tpu.memref_slice %arg7[%add3A_12, %dma_start3A] : memref<10240x128xf32, #tpu.memory_space<vmem_shared>> -> memref<128x128xf32, #tpu.memory_space<vmem_shared>>
      tpu.enqueue_dma source(%arg5 : memref<128x128xf32, #tpu.memory_space<hbm>>) target(%dma_start3A_101 : memref<128x128xf32, #tpu.memory_space<vmem_shared>>) target_semaphore(%run_scoped3A : memref<!tpu.dma_semaphore, #tpu.memory_space<semaphore_mem>>)
      %dma_wait3A = arith.constant 0 : i32
      %dma_wait3A_102 = tpu.memref_slice %arg7[%add3A_12, %dma_wait3A] : memref<10240x128xf32, #tpu.memory_space<vmem_shared>> -> memref<128x128xf32, #tpu.memory_space<vmem_shared>>
      tpu.wait_dma2 semaphore(%run_scoped3A : memref<!tpu.dma_semaphore, #tpu.memory_space<semaphore_mem>>) src(%arg5 : memref<128x128xf32, #tpu.memory_space<hbm>>) dst(%dma_wait3A_102 : memref<128x128xf32, #tpu.memory_space<vmem_shared>>)
      tpu.yield
    }) : () -> ()
    %add3A_13 = arith.constant 512 : i32
    %add3A_14 = arith.addi %mul3A_0, %add3A_13 : i32
    "tpu.region"() ({
      %run_scoped3A = tpu.sem_alloc : memref<!tpu.dma_semaphore, #tpu.memory_space<semaphore_mem>>
      %dma_start3A = arith.constant 0 : i32
      %dma_start3A_101 = tpu.memref_slice %arg7[%add3A_14, %dma_start3A] : memref<10240x128xf32, #tpu.memory_space<vmem_shared>> -> memref<128x128xf32, #tpu.memory_space<vmem_shared>>
      tpu.enqueue_dma source(%arg5 : memref<128x128xf32, #tpu.memory_space<hbm>>) target(%dma_start3A_101 : memref<128x128xf32, #tpu.memory_space<vmem_shared>>) target_semaphore(%run_scoped3A : memref<!tpu.dma_semaphore, #tpu.memory_space<semaphore_mem>>)
      %dma_wait3A = arith.constant 0 : i32
      %dma_wait3A_102 = tpu.memref_slice %arg7[%add3A_14, %dma_wait3A] : memref<10240x128xf32, #tpu.memory_space<vmem_shared>> -> memref<128x128xf32, #tpu.memory_space<vmem_shared>>
      tpu.wait_dma2 semaphore(%run_scoped3A : memref<!tpu.dma_semaphore, #tpu.memory_space<semaphore_mem>>) src(%arg5 : memref<128x128xf32, #tpu.memory_space<hbm>>) dst(%dma_wait3A_102 : memref<128x128xf32, #tpu.memory_space<vmem_shared>>)
      tpu.yield
    }) : () -> ()
    "tpu.region"() ({
      %run_scoped3A = tpu.sem_alloc : memref<!tpu.dma_semaphore, #tpu.memory_space<semaphore_mem>>
      %dma_start3A = arith.constant 0 : i32
      %dma_start3A_101 = arith.constant 0 : i32
      %dma_start3A_102 = tpu.memref_slice %arg3[%add3A_3, %arg1, %dma_start3A, %dma_start3A_101] : memref<8x16x79x128xi32, #tpu.memory_space<hbm>> -> memref<1x1x79x128xi32, #tpu.memory_space<hbm>>
      %dma_start3A_103 = tpu.memref_squeeze %dma_start3A_102 : memref<1x1x79x128xi32, #tpu.memory_space<hbm>> -> memref<79x128xi32, #tpu.memory_space<hbm>>
      %dma_start3A_104 = arith.constant 0 : i32
      %dma_start3A_105 = arith.constant 0 : i32
      %dma_start3A_106 = tpu.memref_slice %arg3[%add3A_3, %arg1, %dma_start3A_104, %dma_start3A_105] : memref<8x16x79x128xi32, #tpu.memory_space<hbm>> -> memref<1x1x79x128xi32, #tpu.memory_space<hbm>>
      %dma_start3A_107 = tpu.memref_squeeze %dma_start3A_106 : memref<1x1x79x128xi32, #tpu.memory_space<hbm>> -> memref<79x128xi32, #tpu.memory_space<hbm>>
      tpu.enqueue_dma source(%dma_start3A_107 : memref<79x128xi32, #tpu.memory_space<hbm>>) target(%arg8 : memref<79x128xi32, #tpu.memory_space<vmem>>) target_semaphore(%run_scoped3A : memref<!tpu.dma_semaphore, #tpu.memory_space<semaphore_mem>>)
      %dma_wait3A = arith.constant 0 : i32
      %dma_wait3A_108 = arith.constant 0 : i32
      %dma_wait3A_109 = tpu.memref_slice %arg3[%add3A_3, %arg1, %dma_wait3A, %dma_wait3A_108] : memref<8x16x79x128xi32, #tpu.memory_space<hbm>> -> memref<1x1x79x128xi32, #tpu.memory_space<hbm>>
      %dma_wait3A_110 = tpu.memref_squeeze %dma_wait3A_109 : memref<1x1x79x128xi32, #tpu.memory_space<hbm>> -> memref<79x128xi32, #tpu.memory_space<hbm>>
      %dma_wait3A_111 = arith.constant 0 : i32
      %dma_wait3A_112 = arith.constant 0 : i32
      %dma_wait3A_113 = tpu.memref_slice %arg3[%add3A_3, %arg1, %dma_wait3A_111, %dma_wait3A_112] : memref<8x16x79x128xi32, #tpu.memory_space<hbm>> -> memref<1x1x79x128xi32, #tpu.memory_space<hbm>>
      %dma_wait3A_114 = tpu.memref_squeeze %dma_wait3A_113 : memref<1x1x79x128xi32, #tpu.memory_space<hbm>> -> memref<79x128xi32, #tpu.memory_space<hbm>>
      tpu.wait_dma2 semaphore(%run_scoped3A : memref<!tpu.dma_semaphore, #tpu.memory_space<semaphore_mem>>) src(%dma_wait3A_114 : memref<79x128xi32, #tpu.memory_space<hbm>>) dst(%arg8 : memref<79x128xi32, #tpu.memory_space<vmem>>)
      tpu.yield
    }) : () -> ()
    %barrier3A = arith.constant 0 : index
    tpu.barrier barrier_id(%barrier3A)
    %scan3A = arith.constant 0 : i32
    %scan3A_15 = arith.constant 0 : i32
    %scan3A_16 = arith.constant 79 : i32
    %scan3A_17 = arith.addi %scan3A_15, %scan3A_16 : i32
    %scan3A_18 = arith.constant 1 : i32
    %scan3A_19 = scf.for %scan3A_101 = %scan3A_15 to %scan3A_17 step %scan3A_18 iter_args(%scan3A_102 = %scan3A) -> (i32)  : i32 {
      "tpu.region"() ({
        %run_scoped3A = tpu.sem_alloc : memref<!tpu.dma_semaphore, #tpu.memory_space<semaphore_mem>>
        %dma_start3A = arith.constant 0 : i32
        %dma_start3A_104 = tpu.memref_slice %arg8[%scan3A_101, %dma_start3A] : memref<79x128xi32, #tpu.memory_space<vmem>> -> memref<1x128xi32, #tpu.memory_space<vmem>>
        %dma_start3A_105 = tpu.memref_squeeze %dma_start3A_104 : memref<1x128xi32, #tpu.memory_space<vmem>> -> memref<128xi32, #tpu.memory_space<vmem>>
        %dma_start3A_106 = arith.constant 0 : i32
        %dma_start3A_107 = arith.constant 0 : i32
        %dma_start3A_108 = tpu.memref_slice %arg2[%dma_start3A_106, %dma_start3A_107] : memref<81920x128xf32, #tpu.memory_space<hbm>> -> memref<81920x128xf32, #tpu.memory_space<hbm>>
        tpu.enqueue_indirect_dma source(%dma_start3A_108 : memref<81920x128xf32, #tpu.memory_space<hbm>>) target(%arg10 : memref<128x128xf32, #tpu.memory_space<vmem>>) offsets(%dma_start3A_105 : memref<128xi32, #tpu.memory_space<vmem>>) semaphore(%run_scoped3A : memref<!tpu.dma_semaphore, #tpu.memory_space<semaphore_mem>>)
        %dma_wait3A = arith.constant 0 : i32
        %dma_wait3A_109 = tpu.memref_slice %arg8[%scan3A_101, %dma_wait3A] : memref<79x128xi32, #tpu.memory_space<vmem>> -> memref<1x128xi32, #tpu.memory_space<vmem>>
        %dma_wait3A_110 = tpu.memref_squeeze %dma_wait3A_109 : memref<1x128xi32, #tpu.memory_space<vmem>> -> memref<128xi32, #tpu.memory_space<vmem>>
        %dma_wait3A_111 = arith.constant 0 : i32
        %dma_wait3A_112 = arith.constant 0 : i32
        %dma_wait3A_113 = tpu.memref_slice %arg2[%dma_wait3A_111, %dma_wait3A_112] : memref<81920x128xf32, #tpu.memory_space<hbm>> -> memref<81920x128xf32, #tpu.memory_space<hbm>>
        tpu.wait_indirect_dma semaphore(%run_scoped3A : memref<!tpu.dma_semaphore, #tpu.memory_space<semaphore_mem>>) src(%dma_wait3A_113 : memref<81920x128xf32, #tpu.memory_space<hbm>>) dst(%arg10 : memref<128x128xf32, #tpu.memory_space<vmem>>)
        tpu.yield
      }) : () -> ()
      "tpu.region"() ({
        %run_scoped3A = tpu.sem_alloc : memref<!tpu.dma_semaphore, #tpu.memory_space<semaphore_mem>>
        %dma_start3A = arith.constant 0 : i32
        %dma_start3A_104 = tpu.memref_slice %arg9[%scan3A_101, %dma_start3A] : memref<79x128xi32, #tpu.memory_space<vmem>> -> memref<1x128xi32, #tpu.memory_space<vmem>>
        %dma_start3A_105 = tpu.memref_squeeze %dma_start3A_104 : memref<1x128xi32, #tpu.memory_space<vmem>> -> memref<128xi32, #tpu.memory_space<vmem>>
        %dma_start3A_106 = arith.constant 0 : i32
        %dma_start3A_107 = arith.constant 0 : i32
        %dma_start3A_108 = tpu.memref_slice %arg7[%dma_start3A_106, %dma_start3A_107] : memref<10240x128xf32, #tpu.memory_space<vmem_shared>> -> memref<10240x128xf32, #tpu.memory_space<vmem_shared>>
        tpu.enqueue_indirect_dma source(%arg10 : memref<128x128xf32, #tpu.memory_space<vmem>>) target(%dma_start3A_108 : memref<10240x128xf32, #tpu.memory_space<vmem_shared>>) offsets(%dma_start3A_105 : memref<128xi32, #tpu.memory_space<vmem>>) semaphore(%run_scoped3A : memref<!tpu.dma_semaphore, #tpu.memory_space<semaphore_mem>>) {add = true}
        %dma_wait3A = arith.constant 0 : i32
        %dma_wait3A_109 = tpu.memref_slice %arg9[%scan3A_101, %dma_wait3A] : memref<79x128xi32, #tpu.memory_space<vmem>> -> memref<1x128xi32, #tpu.memory_space<vmem>>
        %dma_wait3A_110 = tpu.memref_squeeze %dma_wait3A_109 : memref<1x128xi32, #tpu.memory_space<vmem>> -> memref<128xi32, #tpu.memory_space<vmem>>
        %dma_wait3A_111 = arith.constant 0 : i32
        %dma_wait3A_112 = arith.constant 0 : i32
        %dma_wait3A_113 = tpu.memref_slice %arg7[%dma_wait3A_111, %dma_wait3A_112] : memref<10240x128xf32, #tpu.memory_space<vmem_shared>> -> memref<10240x128xf32, #tpu.memory_space<vmem_shared>>
        tpu.wait_indirect_dma semaphore(%run_scoped3A : memref<!tpu.dma_semaphore, #tpu.memory_space<semaphore_mem>>) src(%arg10 : memref<128x128xf32, #tpu.memory_space<vmem>>) dst(%dma_wait3A_113 : memref<10240x128xf32, #tpu.memory_space<vmem_shared>>)
        tpu.yield
      }) : () -> ()
      %scan3A_103 = arith.constant 0 : i32
      scf.yield %scan3A_103 : i32
    }
    %scan3A_20 = arith.constant 79 : i32
    %barrier3A_21 = arith.constant 0 : index
    tpu.barrier barrier_id(%barrier3A_21)
    "tpu.region"() ({
      %run_scoped3A = tpu.sem_alloc : memref<!tpu.dma_semaphore, #tpu.memory_space<semaphore_mem>>
      %dma_start3A = arith.constant 0 : i32
      %dma_start3A_101 = tpu.memref_slice %arg6[%add3A_3, %mul3A_0, %dma_start3A] : memref<8x10240x128xf32, #tpu.memory_space<hbm>> -> memref<1x640x128xf32, #tpu.memory_space<hbm>>
      %dma_start3A_102 = tpu.memref_squeeze %dma_start3A_101 : memref<1x640x128xf32, #tpu.memory_space<hbm>> -> memref<640x128xf32, #tpu.memory_space<hbm>>
      %dma_start3A_103 = arith.constant 0 : i32
      %dma_start3A_104 = tpu.memref_slice %arg7[%mul3A_0, %dma_start3A_103] : memref<10240x128xf32, #tpu.memory_space<vmem_shared>> -> memref<640x128xf32, #tpu.memory_space<vmem_shared>>
      tpu.enqueue_dma source(%dma_start3A_104 : memref<640x128xf32, #tpu.memory_space<vmem_shared>>) target(%dma_start3A_102 : memref<640x128xf32, #tpu.memory_space<hbm>>) target_semaphore(%run_scoped3A : memref<!tpu.dma_semaphore, #tpu.memory_space<semaphore_mem>>)
      %dma_wait3A = arith.constant 0 : i32
      %dma_wait3A_105 = tpu.memref_slice %arg6[%add3A_3, %mul3A_0, %dma_wait3A] : memref<8x10240x128xf32, #tpu.memory_space<hbm>> -> memref<1x640x128xf32, #tpu.memory_space<hbm>>
      %dma_wait3A_106 = tpu.memref_squeeze %dma_wait3A_105 : memref<1x640x128xf32, #tpu.memory_space<hbm>> -> memref<640x128xf32, #tpu.memory_space<hbm>>
      %dma_wait3A_107 = arith.constant 0 : i32
      %dma_wait3A_108 = tpu.memref_slice %arg7[%mul3A_0, %dma_wait3A_107] : memref<10240x128xf32, #tpu.memory_space<vmem_shared>> -> memref<640x128xf32, #tpu.memory_space<vmem_shared>>
      tpu.wait_dma2 semaphore(%run_scoped3A : memref<!tpu.dma_semaphore, #tpu.memory_space<semaphore_mem>>) src(%dma_wait3A_108 : memref<640x128xf32, #tpu.memory_space<vmem_shared>>) dst(%dma_wait3A_106 : memref<640x128xf32, #tpu.memory_space<hbm>>)
      tpu.yield
    }) : () -> ()
    %barrier3A_22 = arith.constant 0 : index
    tpu.barrier barrier_id(%barrier3A_22)
    %mul3A_23 = arith.constant 4 : i32
    %mul3A_24 = arith.muli %arg0, %mul3A_23 : i32
    %add3A_25 = arith.constant 1 : i32
    %add3A_26 = arith.addi %mul3A_24, %add3A_25 : i32
    %lt3A_27 = arith.constant 8 : i32
    %lt3A_28 = arith.cmpi slt, %add3A_26, %lt3A_27 : i32
    %add3A_29 = arith.constant 0 : i32
    %add3A_30 = arith.addi %mul3A_0, %add3A_29 : i32
    "tpu.region"() ({
      %run_scoped3A = tpu.sem_alloc : memref<!tpu.dma_semaphore, #tpu.memory_space<semaphore_mem>>
      %dma_start3A = arith.constant 0 : i32
      %dma_start3A_101 = tpu.memref_slice %arg7[%add3A_30, %dma_start3A] : memref<10240x128xf32, #tpu.memory_space<vmem_shared>> -> memref<128x128xf32, #tpu.memory_space<vmem_shared>>
      tpu.enqueue_dma source(%arg5 : memref<128x128xf32, #tpu.memory_space<hbm>>) target(%dma_start3A_101 : memref<128x128xf32, #tpu.memory_space<vmem_shared>>) target_semaphore(%run_scoped3A : memref<!tpu.dma_semaphore, #tpu.memory_space<semaphore_mem>>)
      %dma_wait3A = arith.constant 0 : i32
      %dma_wait3A_102 = tpu.memref_slice %arg7[%add3A_30, %dma_wait3A] : memref<10240x128xf32, #tpu.memory_space<vmem_shared>> -> memref<128x128xf32, #tpu.memory_space<vmem_shared>>
      tpu.wait_dma2 semaphore(%run_scoped3A : memref<!tpu.dma_semaphore, #tpu.memory_space<semaphore_mem>>) src(%arg5 : memref<128x128xf32, #tpu.memory_space<hbm>>) dst(%dma_wait3A_102 : memref<128x128xf32, #tpu.memory_space<vmem_shared>>)
      tpu.yield
    }) : () -> ()
    %add3A_31 = arith.constant 128 : i32
    %add3A_32 = arith.addi %mul3A_0, %add3A_31 : i32
    "tpu.region"() ({
      %run_scoped3A = tpu.sem_alloc : memref<!tpu.dma_semaphore, #tpu.memory_space<semaphore_mem>>
      %dma_start3A = arith.constant 0 : i32
      %dma_start3A_101 = tpu.memref_slice %arg7[%add3A_32, %dma_start3A] : memref<10240x128xf32, #tpu.memory_space<vmem_shared>> -> memref<128x128xf32, #tpu.memory_space<vmem_shared>>
      tpu.enqueue_dma source(%arg5 : memref<128x128xf32, #tpu.memory_space<hbm>>) target(%dma_start3A_101 : memref<128x128xf32, #tpu.memory_space<vmem_shared>>) target_semaphore(%run_scoped3A : memref<!tpu.dma_semaphore, #tpu.memory_space<semaphore_mem>>)
      %dma_wait3A = arith.constant 0 : i32
      %dma_wait3A_102 = tpu.memref_slice %arg7[%add3A_32, %dma_wait3A] : memref<10240x128xf32, #tpu.memory_space<vmem_shared>> -> memref<128x128xf32, #tpu.memory_space<vmem_shared>>
      tpu.wait_dma2 semaphore(%run_scoped3A : memref<!tpu.dma_semaphore, #tpu.memory_space<semaphore_mem>>) src(%arg5 : memref<128x128xf32, #tpu.memory_space<hbm>>) dst(%dma_wait3A_102 : memref<128x128xf32, #tpu.memory_space<vmem_shared>>)
      tpu.yield
    }) : () -> ()
    %add3A_33 = arith.constant 256 : i32
    %add3A_34 = arith.addi %mul3A_0, %add3A_33 : i32
    "tpu.region"() ({
      %run_scoped3A = tpu.sem_alloc : memref<!tpu.dma_semaphore, #tpu.memory_space<semaphore_mem>>
      %dma_start3A = arith.constant 0 : i32
      %dma_start3A_101 = tpu.memref_slice %arg7[%add3A_34, %dma_start3A] : memref<10240x128xf32, #tpu.memory_space<vmem_shared>> -> memref<128x128xf32, #tpu.memory_space<vmem_shared>>
      tpu.enqueue_dma source(%arg5 : memref<128x128xf32, #tpu.memory_space<hbm>>) target(%dma_start3A_101 : memref<128x128xf32, #tpu.memory_space<vmem_shared>>) target_semaphore(%run_scoped3A : memref<!tpu.dma_semaphore, #tpu.memory_space<semaphore_mem>>)
      %dma_wait3A = arith.constant 0 : i32
      %dma_wait3A_102 = tpu.memref_slice %arg7[%add3A_34, %dma_wait3A] : memref<10240x128xf32, #tpu.memory_space<vmem_shared>> -> memref<128x128xf32, #tpu.memory_space<vmem_shared>>
      tpu.wait_dma2 semaphore(%run_scoped3A : memref<!tpu.dma_semaphore, #tpu.memory_space<semaphore_mem>>) src(%arg5 : memref<128x128xf32, #tpu.memory_space<hbm>>) dst(%dma_wait3A_102 : memref<128x128xf32, #tpu.memory_space<vmem_shared>>)
      tpu.yield
    }) : () -> ()
    %add3A_35 = arith.constant 384 : i32
    %add3A_36 = arith.addi %mul3A_0, %add3A_35 : i32
    "tpu.region"() ({
      %run_scoped3A = tpu.sem_alloc : memref<!tpu.dma_semaphore, #tpu.memory_space<semaphore_mem>>
      %dma_start3A = arith.constant 0 : i32
      %dma_start3A_101 = tpu.memref_slice %arg7[%add3A_36, %dma_start3A] : memref<10240x128xf32, #tpu.memory_space<vmem_shared>> -> memref<128x128xf32, #tpu.memory_space<vmem_shared>>
      tpu.enqueue_dma source(%arg5 : memref<128x128xf32, #tpu.memory_space<hbm>>) target(%dma_start3A_101 : memref<128x128xf32, #tpu.memory_space<vmem_shared>>) target_semaphore(%run_scoped3A : memref<!tpu.dma_semaphore, #tpu.memory_space<semaphore_mem>>)
      %dma_wait3A = arith.constant 0 : i32
      %dma_wait3A_102 = tpu.memref_slice %arg7[%add3A_36, %dma_wait3A] : memref<10240x128xf32, #tpu.memory_space<vmem_shared>> -> memref<128x128xf32, #tpu.memory_space<vmem_shared>>
      tpu.wait_dma2 semaphore(%run_scoped3A : memref<!tpu.dma_semaphore, #tpu.memory_space<semaphore_mem>>) src(%arg5 : memref<128x128xf32, #tpu.memory_space<hbm>>) dst(%dma_wait3A_102 : memref<128x128xf32, #tpu.memory_space<vmem_shared>>)
      tpu.yield
    }) : () -> ()
    %add3A_37 = arith.constant 512 : i32
    %add3A_38 = arith.addi %mul3A_0, %add3A_37 : i32
    "tpu.region"() ({
      %run_scoped3A = tpu.sem_alloc : memref<!tpu.dma_semaphore, #tpu.memory_space<semaphore_mem>>
      %dma_start3A = arith.constant 0 : i32
      %dma_start3A_101 = tpu.memref_slice %arg7[%add3A_38, %dma_start3A] : memref<10240x128xf32, #tpu.memory_space<vmem_shared>> -> memref<128x128xf32, #tpu.memory_space<vmem_shared>>
      tpu.enqueue_dma source(%arg5 : memref<128x128xf32, #tpu.memory_space<hbm>>) target(%dma_start3A_101 : memref<128x128xf32, #tpu.memory_space<vmem_shared>>) target_semaphore(%run_scoped3A : memref<!tpu.dma_semaphore, #tpu.memory_space<semaphore_mem>>)
      %dma_wait3A = arith.constant 0 : i32
      %dma_wait3A_102 = tpu.memref_slice %arg7[%add3A_38, %dma_wait3A] : memref<10240x128xf32, #tpu.memory_space<vmem_shared>> -> memref<128x128xf32, #tpu.memory_space<vmem_shared>>
      tpu.wait_dma2 semaphore(%run_scoped3A : memref<!tpu.dma_semaphore, #tpu.memory_space<semaphore_mem>>) src(%arg5 : memref<128x128xf32, #tpu.memory_space<hbm>>) dst(%dma_wait3A_102 : memref<128x128xf32, #tpu.memory_space<vmem_shared>>)
      tpu.yield
    }) : () -> ()
    "tpu.region"() ({
      %run_scoped3A = tpu.sem_alloc : memref<!tpu.dma_semaphore, #tpu.memory_space<semaphore_mem>>
      %dma_start3A = arith.constant 0 : i32
      %dma_start3A_101 = arith.constant 0 : i32
      %dma_start3A_102 = tpu.memref_slice %arg3[%add3A_26, %arg1, %dma_start3A, %dma_start3A_101] : memref<8x16x79x128xi32, #tpu.memory_space<hbm>> -> memref<1x1x79x128xi32, #tpu.memory_space<hbm>>
      %dma_start3A_103 = tpu.memref_squeeze %dma_start3A_102 : memref<1x1x79x128xi32, #tpu.memory_space<hbm>> -> memref<79x128xi32, #tpu.memory_space<hbm>>
      %dma_start3A_104 = arith.constant 0 : i32
      %dma_start3A_105 = arith.constant 0 : i32
      %dma_start3A_106 = tpu.memref_slice %arg3[%add3A_26, %arg1, %dma_start3A_104, %dma_start3A_105] : memref<8x16x79x128xi32, #tpu.memory_space<hbm>> -> memref<1x1x79x128xi32, #tpu.memory_space<hbm>>
      %dma_start3A_107 = tpu.memref_squeeze %dma_start3A_106 : memref<1x1x79x128xi32, #tpu.memory_space<hbm>> -> memref<79x128xi32, #tpu.memory_space<hbm>>
      tpu.enqueue_dma source(%dma_start3A_107 : memref<79x128xi32, #tpu.memory_space<hbm>>) target(%arg8 : memref<79x128xi32, #tpu.memory_space<vmem>>) target_semaphore(%run_scoped3A : memref<!tpu.dma_semaphore, #tpu.memory_space<semaphore_mem>>)
      %dma_wait3A = arith.constant 0 : i32
      %dma_wait3A_108 = arith.constant 0 : i32
      %dma_wait3A_109 = tpu.memref_slice %arg3[%add3A_26, %arg1, %dma_wait3A, %dma_wait3A_108] : memref<8x16x79x128xi32, #tpu.memory_space<hbm>> -> memref<1x1x79x128xi32, #tpu.memory_space<hbm>>
      %dma_wait3A_110 = tpu.memref_squeeze %dma_wait3A_109 : memref<1x1x79x128xi32, #tpu.memory_space<hbm>> -> memref<79x128xi32, #tpu.memory_space<hbm>>
      %dma_wait3A_111 = arith.constant 0 : i32
      %dma_wait3A_112 = arith.constant 0 : i32
      %dma_wait3A_113 = tpu.memref_slice %arg3[%add3A_26, %arg1, %dma_wait3A_111, %dma_wait3A_112] : memref<8x16x79x128xi32, #tpu.memory_space<hbm>> -> memref<1x1x79x128xi32, #tpu.memory_space<hbm>>
      %dma_wait3A_114 = tpu.memref_squeeze %dma_wait3A_113 : memref<1x1x79x128xi32, #tpu.memory_space<hbm>> -> memref<79x128xi32, #tpu.memory_space<hbm>>
      tpu.wait_dma2 semaphore(%run_scoped3A : memref<!tpu.dma_semaphore, #tpu.memory_space<semaphore_mem>>) src(%dma_wait3A_114 : memref<79x128xi32, #tpu.memory_space<hbm>>) dst(%arg8 : memref<79x128xi32, #tpu.memory_space<vmem>>)
      tpu.yield
    }) : () -> ()
    %barrier3A_39 = arith.constant 0 : index
    tpu.barrier barrier_id(%barrier3A_39)
    %scan3A_40 = arith.constant 0 : i32
    %scan3A_41 = arith.constant 0 : i32
    %scan3A_42 = arith.constant 79 : i32
    %scan3A_43 = arith.addi %scan3A_41, %scan3A_42 : i32
    %scan3A_44 = arith.constant 1 : i32
    %scan3A_45 = scf.for %scan3A_101 = %scan3A_41 to %scan3A_43 step %scan3A_44 iter_args(%scan3A_102 = %scan3A_40) -> (i32)  : i32 {
      "tpu.region"() ({
        %run_scoped3A = tpu.sem_alloc : memref<!tpu.dma_semaphore, #tpu.memory_space<semaphore_mem>>
        %dma_start3A = arith.constant 0 : i32
        %dma_start3A_104 = tpu.memref_slice %arg8[%scan3A_101, %dma_start3A] : memref<79x128xi32, #tpu.memory_space<vmem>> -> memref<1x128xi32, #tpu.memory_space<vmem>>
        %dma_start3A_105 = tpu.memref_squeeze %dma_start3A_104 : memref<1x128xi32, #tpu.memory_space<vmem>> -> memref<128xi32, #tpu.memory_space<vmem>>
        %dma_start3A_106 = arith.constant 0 : i32
        %dma_start3A_107 = arith.constant 0 : i32
        %dma_start3A_108 = tpu.memref_slice %arg2[%dma_start3A_106, %dma_start3A_107] : memref<81920x128xf32, #tpu.memory_space<hbm>> -> memref<81920x128xf32, #tpu.memory_space<hbm>>
        tpu.enqueue_indirect_dma source(%dma_start3A_108 : memref<81920x128xf32, #tpu.memory_space<hbm>>) target(%arg10 : memref<128x128xf32, #tpu.memory_space<vmem>>) offsets(%dma_start3A_105 : memref<128xi32, #tpu.memory_space<vmem>>) semaphore(%run_scoped3A : memref<!tpu.dma_semaphore, #tpu.memory_space<semaphore_mem>>)
        %dma_wait3A = arith.constant 0 : i32
        %dma_wait3A_109 = tpu.memref_slice %arg8[%scan3A_101, %dma_wait3A] : memref<79x128xi32, #tpu.memory_space<vmem>> -> memref<1x128xi32, #tpu.memory_space<vmem>>
        %dma_wait3A_110 = tpu.memref_squeeze %dma_wait3A_109 : memref<1x128xi32, #tpu.memory_space<vmem>> -> memref<128xi32, #tpu.memory_space<vmem>>
        %dma_wait3A_111 = arith.constant 0 : i32
        %dma_wait3A_112 = arith.constant 0 : i32
        %dma_wait3A_113 = tpu.memref_slice %arg2[%dma_wait3A_111, %dma_wait3A_112] : memref<81920x128xf32, #tpu.memory_space<hbm>> -> memref<81920x128xf32, #tpu.memory_space<hbm>>
        tpu.wait_indirect_dma semaphore(%run_scoped3A : memref<!tpu.dma_semaphore, #tpu.memory_space<semaphore_mem>>) src(%dma_wait3A_113 : memref<81920x128xf32, #tpu.memory_space<hbm>>) dst(%arg10 : memref<128x128xf32, #tpu.memory_space<vmem>>)
        tpu.yield
      }) : () -> ()
      "tpu.region"() ({
        %run_scoped3A = tpu.sem_alloc : memref<!tpu.dma_semaphore, #tpu.memory_space<semaphore_mem>>
        %dma_start3A = arith.constant 0 : i32
        %dma_start3A_104 = tpu.memref_slice %arg9[%scan3A_101, %dma_start3A] : memref<79x128xi32, #tpu.memory_space<vmem>> -> memref<1x128xi32, #tpu.memory_space<vmem>>
        %dma_start3A_105 = tpu.memref_squeeze %dma_start3A_104 : memref<1x128xi32, #tpu.memory_space<vmem>> -> memref<128xi32, #tpu.memory_space<vmem>>
        %dma_start3A_106 = arith.constant 0 : i32
        %dma_start3A_107 = arith.constant 0 : i32
        %dma_start3A_108 = tpu.memref_slice %arg7[%dma_start3A_106, %dma_start3A_107] : memref<10240x128xf32, #tpu.memory_space<vmem_shared>> -> memref<10240x128xf32, #tpu.memory_space<vmem_shared>>
        tpu.enqueue_indirect_dma source(%arg10 : memref<128x128xf32, #tpu.memory_space<vmem>>) target(%dma_start3A_108 : memref<10240x128xf32, #tpu.memory_space<vmem_shared>>) offsets(%dma_start3A_105 : memref<128xi32, #tpu.memory_space<vmem>>) semaphore(%run_scoped3A : memref<!tpu.dma_semaphore, #tpu.memory_space<semaphore_mem>>) {add = true}
        %dma_wait3A = arith.constant 0 : i32
        %dma_wait3A_109 = tpu.memref_slice %arg9[%scan3A_101, %dma_wait3A] : memref<79x128xi32, #tpu.memory_space<vmem>> -> memref<1x128xi32, #tpu.memory_space<vmem>>
        %dma_wait3A_110 = tpu.memref_squeeze %dma_wait3A_109 : memref<1x128xi32, #tpu.memory_space<vmem>> -> memref<128xi32, #tpu.memory_space<vmem>>
        %dma_wait3A_111 = arith.constant 0 : i32
        %dma_wait3A_112 = arith.constant 0 : i32
        %dma_wait3A_113 = tpu.memref_slice %arg7[%dma_wait3A_111, %dma_wait3A_112] : memref<10240x128xf32, #tpu.memory_space<vmem_shared>> -> memref<10240x128xf32, #tpu.memory_space<vmem_shared>>
        tpu.wait_indirect_dma semaphore(%run_scoped3A : memref<!tpu.dma_semaphore, #tpu.memory_space<semaphore_mem>>) src(%arg10 : memref<128x128xf32, #tpu.memory_space<vmem>>) dst(%dma_wait3A_113 : memref<10240x128xf32, #tpu.memory_space<vmem_shared>>)
        tpu.yield
      }) : () -> ()
      %scan3A_103 = arith.constant 0 : i32
      scf.yield %scan3A_103 : i32
    }
    %scan3A_46 = arith.constant 79 : i32
    %barrier3A_47 = arith.constant 0 : index
    tpu.barrier barrier_id(%barrier3A_47)
    "tpu.region"() ({
      %run_scoped3A = tpu.sem_alloc : memref<!tpu.dma_semaphore, #tpu.memory_space<semaphore_mem>>
      %dma_start3A = arith.constant 0 : i32
      %dma_start3A_101 = tpu.memref_slice %arg6[%add3A_26, %mul3A_0, %dma_start3A] : memref<8x10240x128xf32, #tpu.memory_space<hbm>> -> memref<1x640x128xf32, #tpu.memory_space<hbm>>
      %dma_start3A_102 = tpu.memref_squeeze %dma_start3A_101 : memref<1x640x128xf32, #tpu.memory_space<hbm>> -> memref<640x128xf32, #tpu.memory_space<hbm>>
      %dma_start3A_103 = arith.constant 0 : i32
      %dma_start3A_104 = tpu.memref_slice %arg7[%mul3A_0, %dma_start3A_103] : memref<10240x128xf32, #tpu.memory_space<vmem_shared>> -> memref<640x128xf32, #tpu.memory_space<vmem_shared>>
      tpu.enqueue_dma source(%dma_start3A_104 : memref<640x128xf32, #tpu.memory_space<vmem_shared>>) target(%dma_start3A_102 : memref<640x128xf32, #tpu.memory_space<hbm>>) target_semaphore(%run_scoped3A : memref<!tpu.dma_semaphore, #tpu.memory_space<semaphore_mem>>)
      %dma_wait3A = arith.constant 0 : i32
      %dma_wait3A_105 = tpu.memref_slice %arg6[%add3A_26, %mul3A_0, %dma_wait3A] : memref<8x10240x128xf32, #tpu.memory_space<hbm>> -> memref<1x640x128xf32, #tpu.memory_space<hbm>>
      %dma_wait3A_106 = tpu.memref_squeeze %dma_wait3A_105 : memref<1x640x128xf32, #tpu.memory_space<hbm>> -> memref<640x128xf32, #tpu.memory_space<hbm>>
      %dma_wait3A_107 = arith.constant 0 : i32
      %dma_wait3A_108 = tpu.memref_slice %arg7[%mul3A_0, %dma_wait3A_107] : memref<10240x128xf32, #tpu.memory_space<vmem_shared>> -> memref<640x128xf32, #tpu.memory_space<vmem_shared>>
      tpu.wait_dma2 semaphore(%run_scoped3A : memref<!tpu.dma_semaphore, #tpu.memory_space<semaphore_mem>>) src(%dma_wait3A_108 : memref<640x128xf32, #tpu.memory_space<vmem_shared>>) dst(%dma_wait3A_106 : memref<640x128xf32, #tpu.memory_space<hbm>>)
      tpu.yield
    }) : () -> ()
    %barrier3A_48 = arith.constant 0 : index
    tpu.barrier barrier_id(%barrier3A_48)
    %mul3A_49 = arith.constant 4 : i32
    %mul3A_50 = arith.muli %arg0, %mul3A_49 : i32
    %add3A_51 = arith.constant 2 : i32
    %add3A_52 = arith.addi %mul3A_50, %add3A_51 : i32
    %lt3A_53 = arith.constant 8 : i32
    %lt3A_54 = arith.cmpi slt, %add3A_52, %lt3A_53 : i32
    %add3A_55 = arith.constant 0 : i32
    %add3A_56 = arith.addi %mul3A_0, %add3A_55 : i32
    "tpu.region"() ({
      %run_scoped3A = tpu.sem_alloc : memref<!tpu.dma_semaphore, #tpu.memory_space<semaphore_mem>>
      %dma_start3A = arith.constant 0 : i32
      %dma_start3A_101 = tpu.memref_slice %arg7[%add3A_56, %dma_start3A] : memref<10240x128xf32, #tpu.memory_space<vmem_shared>> -> memref<128x128xf32, #tpu.memory_space<vmem_shared>>
      tpu.enqueue_dma source(%arg5 : memref<128x128xf32, #tpu.memory_space<hbm>>) target(%dma_start3A_101 : memref<128x128xf32, #tpu.memory_space<vmem_shared>>) target_semaphore(%run_scoped3A : memref<!tpu.dma_semaphore, #tpu.memory_space<semaphore_mem>>)
      %dma_wait3A = arith.constant 0 : i32
      %dma_wait3A_102 = tpu.memref_slice %arg7[%add3A_56, %dma_wait3A] : memref<10240x128xf32, #tpu.memory_space<vmem_shared>> -> memref<128x128xf32, #tpu.memory_space<vmem_shared>>
      tpu.wait_dma2 semaphore(%run_scoped3A : memref<!tpu.dma_semaphore, #tpu.memory_space<semaphore_mem>>) src(%arg5 : memref<128x128xf32, #tpu.memory_space<hbm>>) dst(%dma_wait3A_102 : memref<128x128xf32, #tpu.memory_space<vmem_shared>>)
      tpu.yield
    }) : () -> ()
    %add3A_57 = arith.constant 128 : i32
    %add3A_58 = arith.addi %mul3A_0, %add3A_57 : i32
    "tpu.region"() ({
      %run_scoped3A = tpu.sem_alloc : memref<!tpu.dma_semaphore, #tpu.memory_space<semaphore_mem>>
      %dma_start3A = arith.constant 0 : i32
      %dma_start3A_101 = tpu.memref_slice %arg7[%add3A_58, %dma_start3A] : memref<10240x128xf32, #tpu.memory_space<vmem_shared>> -> memref<128x128xf32, #tpu.memory_space<vmem_shared>>
      tpu.enqueue_dma source(%arg5 : memref<128x128xf32, #tpu.memory_space<hbm>>) target(%dma_start3A_101 : memref<128x128xf32, #tpu.memory_space<vmem_shared>>) target_semaphore(%run_scoped3A : memref<!tpu.dma_semaphore, #tpu.memory_space<semaphore_mem>>)
      %dma_wait3A = arith.constant 0 : i32
      %dma_wait3A_102 = tpu.memref_slice %arg7[%add3A_58, %dma_wait3A] : memref<10240x128xf32, #tpu.memory_space<vmem_shared>> -> memref<128x128xf32, #tpu.memory_space<vmem_shared>>
      tpu.wait_dma2 semaphore(%run_scoped3A : memref<!tpu.dma_semaphore, #tpu.memory_space<semaphore_mem>>) src(%arg5 : memref<128x128xf32, #tpu.memory_space<hbm>>) dst(%dma_wait3A_102 : memref<128x128xf32, #tpu.memory_space<vmem_shared>>)
      tpu.yield
    }) : () -> ()
    %add3A_59 = arith.constant 256 : i32
    %add3A_60 = arith.addi %mul3A_0, %add3A_59 : i32
    "tpu.region"() ({
      %run_scoped3A = tpu.sem_alloc : memref<!tpu.dma_semaphore, #tpu.memory_space<semaphore_mem>>
      %dma_start3A = arith.constant 0 : i32
      %dma_start3A_101 = tpu.memref_slice %arg7[%add3A_60, %dma_start3A] : memref<10240x128xf32, #tpu.memory_space<vmem_shared>> -> memref<128x128xf32, #tpu.memory_space<vmem_shared>>
      tpu.enqueue_dma source(%arg5 : memref<128x128xf32, #tpu.memory_space<hbm>>) target(%dma_start3A_101 : memref<128x128xf32, #tpu.memory_space<vmem_shared>>) target_semaphore(%run_scoped3A : memref<!tpu.dma_semaphore, #tpu.memory_space<semaphore_mem>>)
      %dma_wait3A = arith.constant 0 : i32
      %dma_wait3A_102 = tpu.memref_slice %arg7[%add3A_60, %dma_wait3A] : memref<10240x128xf32, #tpu.memory_space<vmem_shared>> -> memref<128x128xf32, #tpu.memory_space<vmem_shared>>
      tpu.wait_dma2 semaphore(%run_scoped3A : memref<!tpu.dma_semaphore, #tpu.memory_space<semaphore_mem>>) src(%arg5 : memref<128x128xf32, #tpu.memory_space<hbm>>) dst(%dma_wait3A_102 : memref<128x128xf32, #tpu.memory_space<vmem_shared>>)
      tpu.yield
    }) : () -> ()
    %add3A_61 = arith.constant 384 : i32
    %add3A_62 = arith.addi %mul3A_0, %add3A_61 : i32
    "tpu.region"() ({
      %run_scoped3A = tpu.sem_alloc : memref<!tpu.dma_semaphore, #tpu.memory_space<semaphore_mem>>
      %dma_start3A = arith.constant 0 : i32
      %dma_start3A_101 = tpu.memref_slice %arg7[%add3A_62, %dma_start3A] : memref<10240x128xf32, #tpu.memory_space<vmem_shared>> -> memref<128x128xf32, #tpu.memory_space<vmem_shared>>
      tpu.enqueue_dma source(%arg5 : memref<128x128xf32, #tpu.memory_space<hbm>>) target(%dma_start3A_101 : memref<128x128xf32, #tpu.memory_space<vmem_shared>>) target_semaphore(%run_scoped3A : memref<!tpu.dma_semaphore, #tpu.memory_space<semaphore_mem>>)
      %dma_wait3A = arith.constant 0 : i32
      %dma_wait3A_102 = tpu.memref_slice %arg7[%add3A_62, %dma_wait3A] : memref<10240x128xf32, #tpu.memory_space<vmem_shared>> -> memref<128x128xf32, #tpu.memory_space<vmem_shared>>
      tpu.wait_dma2 semaphore(%run_scoped3A : memref<!tpu.dma_semaphore, #tpu.memory_space<semaphore_mem>>) src(%arg5 : memref<128x128xf32, #tpu.memory_space<hbm>>) dst(%dma_wait3A_102 : memref<128x128xf32, #tpu.memory_space<vmem_shared>>)
      tpu.yield
    }) : () -> ()
    %add3A_63 = arith.constant 512 : i32
    %add3A_64 = arith.addi %mul3A_0, %add3A_63 : i32
    "tpu.region"() ({
      %run_scoped3A = tpu.sem_alloc : memref<!tpu.dma_semaphore, #tpu.memory_space<semaphore_mem>>
      %dma_start3A = arith.constant 0 : i32
      %dma_start3A_101 = tpu.memref_slice %arg7[%add3A_64, %dma_start3A] : memref<10240x128xf32, #tpu.memory_space<vmem_shared>> -> memref<128x128xf32, #tpu.memory_space<vmem_shared>>
      tpu.enqueue_dma source(%arg5 : memref<128x128xf32, #tpu.memory_space<hbm>>) target(%dma_start3A_101 : memref<128x128xf32, #tpu.memory_space<vmem_shared>>) target_semaphore(%run_scoped3A : memref<!tpu.dma_semaphore, #tpu.memory_space<semaphore_mem>>)
      %dma_wait3A = arith.constant 0 : i32
      %dma_wait3A_102 = tpu.memref_slice %arg7[%add3A_64, %dma_wait3A] : memref<10240x128xf32, #tpu.memory_space<vmem_shared>> -> memref<128x128xf32, #tpu.memory_space<vmem_shared>>
      tpu.wait_dma2 semaphore(%run_scoped3A : memref<!tpu.dma_semaphore, #tpu.memory_space<semaphore_mem>>) src(%arg5 : memref<128x128xf32, #tpu.memory_space<hbm>>) dst(%dma_wait3A_102 : memref<128x128xf32, #tpu.memory_space<vmem_shared>>)
      tpu.yield
    }) : () -> ()
    "tpu.region"() ({
      %run_scoped3A = tpu.sem_alloc : memref<!tpu.dma_semaphore, #tpu.memory_space<semaphore_mem>>
      %dma_start3A = arith.constant 0 : i32
      %dma_start3A_101 = arith.constant 0 : i32
      %dma_start3A_102 = tpu.memref_slice %arg3[%add3A_52, %arg1, %dma_start3A, %dma_start3A_101] : memref<8x16x79x128xi32, #tpu.memory_space<hbm>> -> memref<1x1x79x128xi32, #tpu.memory_space<hbm>>
      %dma_start3A_103 = tpu.memref_squeeze %dma_start3A_102 : memref<1x1x79x128xi32, #tpu.memory_space<hbm>> -> memref<79x128xi32, #tpu.memory_space<hbm>>
      %dma_start3A_104 = arith.constant 0 : i32
      %dma_start3A_105 = arith.constant 0 : i32
      %dma_start3A_106 = tpu.memref_slice %arg3[%add3A_52, %arg1, %dma_start3A_104, %dma_start3A_105] : memref<8x16x79x128xi32, #tpu.memory_space<hbm>> -> memref<1x1x79x128xi32, #tpu.memory_space<hbm>>
      %dma_start3A_107 = tpu.memref_squeeze %dma_start3A_106 : memref<1x1x79x128xi32, #tpu.memory_space<hbm>> -> memref<79x128xi32, #tpu.memory_space<hbm>>
      tpu.enqueue_dma source(%dma_start3A_107 : memref<79x128xi32, #tpu.memory_space<hbm>>) target(%arg8 : memref<79x128xi32, #tpu.memory_space<vmem>>) target_semaphore(%run_scoped3A : memref<!tpu.dma_semaphore, #tpu.memory_space<semaphore_mem>>)
      %dma_wait3A = arith.constant 0 : i32
      %dma_wait3A_108 = arith.constant 0 : i32
      %dma_wait3A_109 = tpu.memref_slice %arg3[%add3A_52, %arg1, %dma_wait3A, %dma_wait3A_108] : memref<8x16x79x128xi32, #tpu.memory_space<hbm>> -> memref<1x1x79x128xi32, #tpu.memory_space<hbm>>
      %dma_wait3A_110 = tpu.memref_squeeze %dma_wait3A_109 : memref<1x1x79x128xi32, #tpu.memory_space<hbm>> -> memref<79x128xi32, #tpu.memory_space<hbm>>
      %dma_wait3A_111 = arith.constant 0 : i32
      %dma_wait3A_112 = arith.constant 0 : i32
      %dma_wait3A_113 = tpu.memref_slice %arg3[%add3A_52, %arg1, %dma_wait3A_111, %dma_wait3A_112] : memref<8x16x79x128xi32, #tpu.memory_space<hbm>> -> memref<1x1x79x128xi32, #tpu.memory_space<hbm>>
      %dma_wait3A_114 = tpu.memref_squeeze %dma_wait3A_113 : memref<1x1x79x128xi32, #tpu.memory_space<hbm>> -> memref<79x128xi32, #tpu.memory_space<hbm>>
      tpu.wait_dma2 semaphore(%run_scoped3A : memref<!tpu.dma_semaphore, #tpu.memory_space<semaphore_mem>>) src(%dma_wait3A_114 : memref<79x128xi32, #tpu.memory_space<hbm>>) dst(%arg8 : memref<79x128xi32, #tpu.memory_space<vmem>>)
      tpu.yield
    }) : () -> ()
    %barrier3A_65 = arith.constant 0 : index
    tpu.barrier barrier_id(%barrier3A_65)
    %scan3A_66 = arith.constant 0 : i32
    %scan3A_67 = arith.constant 0 : i32
    %scan3A_68 = arith.constant 79 : i32
    %scan3A_69 = arith.addi %scan3A_67, %scan3A_68 : i32
    %scan3A_70 = arith.constant 1 : i32
    %scan3A_71 = scf.for %scan3A_101 = %scan3A_67 to %scan3A_69 step %scan3A_70 iter_args(%scan3A_102 = %scan3A_66) -> (i32)  : i32 {
      "tpu.region"() ({
        %run_scoped3A = tpu.sem_alloc : memref<!tpu.dma_semaphore, #tpu.memory_space<semaphore_mem>>
        %dma_start3A = arith.constant 0 : i32
        %dma_start3A_104 = tpu.memref_slice %arg8[%scan3A_101, %dma_start3A] : memref<79x128xi32, #tpu.memory_space<vmem>> -> memref<1x128xi32, #tpu.memory_space<vmem>>
        %dma_start3A_105 = tpu.memref_squeeze %dma_start3A_104 : memref<1x128xi32, #tpu.memory_space<vmem>> -> memref<128xi32, #tpu.memory_space<vmem>>
        %dma_start3A_106 = arith.constant 0 : i32
        %dma_start3A_107 = arith.constant 0 : i32
        %dma_start3A_108 = tpu.memref_slice %arg2[%dma_start3A_106, %dma_start3A_107] : memref<81920x128xf32, #tpu.memory_space<hbm>> -> memref<81920x128xf32, #tpu.memory_space<hbm>>
        tpu.enqueue_indirect_dma source(%dma_start3A_108 : memref<81920x128xf32, #tpu.memory_space<hbm>>) target(%arg10 : memref<128x128xf32, #tpu.memory_space<vmem>>) offsets(%dma_start3A_105 : memref<128xi32, #tpu.memory_space<vmem>>) semaphore(%run_scoped3A : memref<!tpu.dma_semaphore, #tpu.memory_space<semaphore_mem>>)
        %dma_wait3A = arith.constant 0 : i32
        %dma_wait3A_109 = tpu.memref_slice %arg8[%scan3A_101, %dma_wait3A] : memref<79x128xi32, #tpu.memory_space<vmem>> -> memref<1x128xi32, #tpu.memory_space<vmem>>
        %dma_wait3A_110 = tpu.memref_squeeze %dma_wait3A_109 : memref<1x128xi32, #tpu.memory_space<vmem>> -> memref<128xi32, #tpu.memory_space<vmem>>
        %dma_wait3A_111 = arith.constant 0 : i32
        %dma_wait3A_112 = arith.constant 0 : i32
        %dma_wait3A_113 = tpu.memref_slice %arg2[%dma_wait3A_111, %dma_wait3A_112] : memref<81920x128xf32, #tpu.memory_space<hbm>> -> memref<81920x128xf32, #tpu.memory_space<hbm>>
        tpu.wait_indirect_dma semaphore(%run_scoped3A : memref<!tpu.dma_semaphore, #tpu.memory_space<semaphore_mem>>) src(%dma_wait3A_113 : memref<81920x128xf32, #tpu.memory_space<hbm>>) dst(%arg10 : memref<128x128xf32, #tpu.memory_space<vmem>>)
        tpu.yield
      }) : () -> ()
      "tpu.region"() ({
        %run_scoped3A = tpu.sem_alloc : memref<!tpu.dma_semaphore, #tpu.memory_space<semaphore_mem>>
        %dma_start3A = arith.constant 0 : i32
        %dma_start3A_104 = tpu.memref_slice %arg9[%scan3A_101, %dma_start3A] : memref<79x128xi32, #tpu.memory_space<vmem>> -> memref<1x128xi32, #tpu.memory_space<vmem>>
        %dma_start3A_105 = tpu.memref_squeeze %dma_start3A_104 : memref<1x128xi32, #tpu.memory_space<vmem>> -> memref<128xi32, #tpu.memory_space<vmem>>
        %dma_start3A_106 = arith.constant 0 : i32
        %dma_start3A_107 = arith.constant 0 : i32
        %dma_start3A_108 = tpu.memref_slice %arg7[%dma_start3A_106, %dma_start3A_107] : memref<10240x128xf32, #tpu.memory_space<vmem_shared>> -> memref<10240x128xf32, #tpu.memory_space<vmem_shared>>
        tpu.enqueue_indirect_dma source(%arg10 : memref<128x128xf32, #tpu.memory_space<vmem>>) target(%dma_start3A_108 : memref<10240x128xf32, #tpu.memory_space<vmem_shared>>) offsets(%dma_start3A_105 : memref<128xi32, #tpu.memory_space<vmem>>) semaphore(%run_scoped3A : memref<!tpu.dma_semaphore, #tpu.memory_space<semaphore_mem>>) {add = true}
        %dma_wait3A = arith.constant 0 : i32
        %dma_wait3A_109 = tpu.memref_slice %arg9[%scan3A_101, %dma_wait3A] : memref<79x128xi32, #tpu.memory_space<vmem>> -> memref<1x128xi32, #tpu.memory_space<vmem>>
        %dma_wait3A_110 = tpu.memref_squeeze %dma_wait3A_109 : memref<1x128xi32, #tpu.memory_space<vmem>> -> memref<128xi32, #tpu.memory_space<vmem>>
        %dma_wait3A_111 = arith.constant 0 : i32
        %dma_wait3A_112 = arith.constant 0 : i32
        %dma_wait3A_113 = tpu.memref_slice %arg7[%dma_wait3A_111, %dma_wait3A_112] : memref<10240x128xf32, #tpu.memory_space<vmem_shared>> -> memref<10240x128xf32, #tpu.memory_space<vmem_shared>>
        tpu.wait_indirect_dma semaphore(%run_scoped3A : memref<!tpu.dma_semaphore, #tpu.memory_space<semaphore_mem>>) src(%arg10 : memref<128x128xf32, #tpu.memory_space<vmem>>) dst(%dma_wait3A_113 : memref<10240x128xf32, #tpu.memory_space<vmem_shared>>)
        tpu.yield
      }) : () -> ()
      %scan3A_103 = arith.constant 0 : i32
      scf.yield %scan3A_103 : i32
    }
    %scan3A_72 = arith.constant 79 : i32
    %barrier3A_73 = arith.constant 0 : index
    tpu.barrier barrier_id(%barrier3A_73)
    "tpu.region"() ({
      %run_scoped3A = tpu.sem_alloc : memref<!tpu.dma_semaphore, #tpu.memory_space<semaphore_mem>>
      %dma_start3A = arith.constant 0 : i32
      %dma_start3A_101 = tpu.memref_slice %arg6[%add3A_52, %mul3A_0, %dma_start3A] : memref<8x10240x128xf32, #tpu.memory_space<hbm>> -> memref<1x640x128xf32, #tpu.memory_space<hbm>>
      %dma_start3A_102 = tpu.memref_squeeze %dma_start3A_101 : memref<1x640x128xf32, #tpu.memory_space<hbm>> -> memref<640x128xf32, #tpu.memory_space<hbm>>
      %dma_start3A_103 = arith.constant 0 : i32
      %dma_start3A_104 = tpu.memref_slice %arg7[%mul3A_0, %dma_start3A_103] : memref<10240x128xf32, #tpu.memory_space<vmem_shared>> -> memref<640x128xf32, #tpu.memory_space<vmem_shared>>
      tpu.enqueue_dma source(%dma_start3A_104 : memref<640x128xf32, #tpu.memory_space<vmem_shared>>) target(%dma_start3A_102 : memref<640x128xf32, #tpu.memory_space<hbm>>) target_semaphore(%run_scoped3A : memref<!tpu.dma_semaphore, #tpu.memory_space<semaphore_mem>>)
      %dma_wait3A = arith.constant 0 : i32
      %dma_wait3A_105 = tpu.memref_slice %arg6[%add3A_52, %mul3A_0, %dma_wait3A] : memref<8x10240x128xf32, #tpu.memory_space<hbm>> -> memref<1x640x128xf32, #tpu.memory_space<hbm>>
      %dma_wait3A_106 = tpu.memref_squeeze %dma_wait3A_105 : memref<1x640x128xf32, #tpu.memory_space<hbm>> -> memref<640x128xf32, #tpu.memory_space<hbm>>
      %dma_wait3A_107 = arith.constant 0 : i32
      %dma_wait3A_108 = tpu.memref_slice %arg7[%mul3A_0, %dma_wait3A_107] : memref<10240x128xf32, #tpu.memory_space<vmem_shared>> -> memref<640x128xf32, #tpu.memory_space<vmem_shared>>
      tpu.wait_dma2 semaphore(%run_scoped3A : memref<!tpu.dma_semaphore, #tpu.memory_space<semaphore_mem>>) src(%dma_wait3A_108 : memref<640x128xf32, #tpu.memory_space<vmem_shared>>) dst(%dma_wait3A_106 : memref<640x128xf32, #tpu.memory_space<hbm>>)
      tpu.yield
    }) : () -> ()
    %barrier3A_74 = arith.constant 0 : index
    tpu.barrier barrier_id(%barrier3A_74)
    %mul3A_75 = arith.constant 4 : i32
    %mul3A_76 = arith.muli %arg0, %mul3A_75 : i32
    %add3A_77 = arith.constant 3 : i32
    %add3A_78 = arith.addi %mul3A_76, %add3A_77 : i32
    %lt3A_79 = arith.constant 8 : i32
    %lt3A_80 = arith.cmpi slt, %add3A_78, %lt3A_79 : i32
    %add3A_81 = arith.constant 0 : i32
    %add3A_82 = arith.addi %mul3A_0, %add3A_81 : i32
    "tpu.region"() ({
      %run_scoped3A = tpu.sem_alloc : memref<!tpu.dma_semaphore, #tpu.memory_space<semaphore_mem>>
      %dma_start3A = arith.constant 0 : i32
      %dma_start3A_101 = tpu.memref_slice %arg7[%add3A_82, %dma_start3A] : memref<10240x128xf32, #tpu.memory_space<vmem_shared>> -> memref<128x128xf32, #tpu.memory_space<vmem_shared>>
      tpu.enqueue_dma source(%arg5 : memref<128x128xf32, #tpu.memory_space<hbm>>) target(%dma_start3A_101 : memref<128x128xf32, #tpu.memory_space<vmem_shared>>) target_semaphore(%run_scoped3A : memref<!tpu.dma_semaphore, #tpu.memory_space<semaphore_mem>>)
      %dma_wait3A = arith.constant 0 : i32
      %dma_wait3A_102 = tpu.memref_slice %arg7[%add3A_82, %dma_wait3A] : memref<10240x128xf32, #tpu.memory_space<vmem_shared>> -> memref<128x128xf32, #tpu.memory_space<vmem_shared>>
      tpu.wait_dma2 semaphore(%run_scoped3A : memref<!tpu.dma_semaphore, #tpu.memory_space<semaphore_mem>>) src(%arg5 : memref<128x128xf32, #tpu.memory_space<hbm>>) dst(%dma_wait3A_102 : memref<128x128xf32, #tpu.memory_space<vmem_shared>>)
      tpu.yield
    }) : () -> ()
    %add3A_83 = arith.constant 128 : i32
    %add3A_84 = arith.addi %mul3A_0, %add3A_83 : i32
    "tpu.region"() ({
      %run_scoped3A = tpu.sem_alloc : memref<!tpu.dma_semaphore, #tpu.memory_space<semaphore_mem>>
      %dma_start3A = arith.constant 0 : i32
      %dma_start3A_101 = tpu.memref_slice %arg7[%add3A_84, %dma_start3A] : memref<10240x128xf32, #tpu.memory_space<vmem_shared>> -> memref<128x128xf32, #tpu.memory_space<vmem_shared>>
      tpu.enqueue_dma source(%arg5 : memref<128x128xf32, #tpu.memory_space<hbm>>) target(%dma_start3A_101 : memref<128x128xf32, #tpu.memory_space<vmem_shared>>) target_semaphore(%run_scoped3A : memref<!tpu.dma_semaphore, #tpu.memory_space<semaphore_mem>>)
      %dma_wait3A = arith.constant 0 : i32
      %dma_wait3A_102 = tpu.memref_slice %arg7[%add3A_84, %dma_wait3A] : memref<10240x128xf32, #tpu.memory_space<vmem_shared>> -> memref<128x128xf32, #tpu.memory_space<vmem_shared>>
      tpu.wait_dma2 semaphore(%run_scoped3A : memref<!tpu.dma_semaphore, #tpu.memory_space<semaphore_mem>>) src(%arg5 : memref<128x128xf32, #tpu.memory_space<hbm>>) dst(%dma_wait3A_102 : memref<128x128xf32, #tpu.memory_space<vmem_shared>>)
      tpu.yield
    }) : () -> ()
    %add3A_85 = arith.constant 256 : i32
    %add3A_86 = arith.addi %mul3A_0, %add3A_85 : i32
    "tpu.region"() ({
      %run_scoped3A = tpu.sem_alloc : memref<!tpu.dma_semaphore, #tpu.memory_space<semaphore_mem>>
      %dma_start3A = arith.constant 0 : i32
      %dma_start3A_101 = tpu.memref_slice %arg7[%add3A_86, %dma_start3A] : memref<10240x128xf32, #tpu.memory_space<vmem_shared>> -> memref<128x128xf32, #tpu.memory_space<vmem_shared>>
      tpu.enqueue_dma source(%arg5 : memref<128x128xf32, #tpu.memory_space<hbm>>) target(%dma_start3A_101 : memref<128x128xf32, #tpu.memory_space<vmem_shared>>) target_semaphore(%run_scoped3A : memref<!tpu.dma_semaphore, #tpu.memory_space<semaphore_mem>>)
      %dma_wait3A = arith.constant 0 : i32
      %dma_wait3A_102 = tpu.memref_slice %arg7[%add3A_86, %dma_wait3A] : memref<10240x128xf32, #tpu.memory_space<vmem_shared>> -> memref<128x128xf32, #tpu.memory_space<vmem_shared>>
      tpu.wait_dma2 semaphore(%run_scoped3A : memref<!tpu.dma_semaphore, #tpu.memory_space<semaphore_mem>>) src(%arg5 : memref<128x128xf32, #tpu.memory_space<hbm>>) dst(%dma_wait3A_102 : memref<128x128xf32, #tpu.memory_space<vmem_shared>>)
      tpu.yield
    }) : () -> ()
    %add3A_87 = arith.constant 384 : i32
    %add3A_88 = arith.addi %mul3A_0, %add3A_87 : i32
    "tpu.region"() ({
      %run_scoped3A = tpu.sem_alloc : memref<!tpu.dma_semaphore, #tpu.memory_space<semaphore_mem>>
      %dma_start3A = arith.constant 0 : i32
      %dma_start3A_101 = tpu.memref_slice %arg7[%add3A_88, %dma_start3A] : memref<10240x128xf32, #tpu.memory_space<vmem_shared>> -> memref<128x128xf32, #tpu.memory_space<vmem_shared>>
      tpu.enqueue_dma source(%arg5 : memref<128x128xf32, #tpu.memory_space<hbm>>) target(%dma_start3A_101 : memref<128x128xf32, #tpu.memory_space<vmem_shared>>) target_semaphore(%run_scoped3A : memref<!tpu.dma_semaphore, #tpu.memory_space<semaphore_mem>>)
      %dma_wait3A = arith.constant 0 : i32
      %dma_wait3A_102 = tpu.memref_slice %arg7[%add3A_88, %dma_wait3A] : memref<10240x128xf32, #tpu.memory_space<vmem_shared>> -> memref<128x128xf32, #tpu.memory_space<vmem_shared>>
      tpu.wait_dma2 semaphore(%run_scoped3A : memref<!tpu.dma_semaphore, #tpu.memory_space<semaphore_mem>>) src(%arg5 : memref<128x128xf32, #tpu.memory_space<hbm>>) dst(%dma_wait3A_102 : memref<128x128xf32, #tpu.memory_space<vmem_shared>>)
      tpu.yield
    }) : () -> ()
    %add3A_89 = arith.constant 512 : i32
    %add3A_90 = arith.addi %mul3A_0, %add3A_89 : i32
    "tpu.region"() ({
      %run_scoped3A = tpu.sem_alloc : memref<!tpu.dma_semaphore, #tpu.memory_space<semaphore_mem>>
      %dma_start3A = arith.constant 0 : i32
      %dma_start3A_101 = tpu.memref_slice %arg7[%add3A_90, %dma_start3A] : memref<10240x128xf32, #tpu.memory_space<vmem_shared>> -> memref<128x128xf32, #tpu.memory_space<vmem_shared>>
      tpu.enqueue_dma source(%arg5 : memref<128x128xf32, #tpu.memory_space<hbm>>) target(%dma_start3A_101 : memref<128x128xf32, #tpu.memory_space<vmem_shared>>) target_semaphore(%run_scoped3A : memref<!tpu.dma_semaphore, #tpu.memory_space<semaphore_mem>>)
      %dma_wait3A = arith.constant 0 : i32
      %dma_wait3A_102 = tpu.memref_slice %arg7[%add3A_90, %dma_wait3A] : memref<10240x128xf32, #tpu.memory_space<vmem_shared>> -> memref<128x128xf32, #tpu.memory_space<vmem_shared>>
      tpu.wait_dma2 semaphore(%run_scoped3A : memref<!tpu.dma_semaphore, #tpu.memory_space<semaphore_mem>>) src(%arg5 : memref<128x128xf32, #tpu.memory_space<hbm>>) dst(%dma_wait3A_102 : memref<128x128xf32, #tpu.memory_space<vmem_shared>>)
      tpu.yield
    }) : () -> ()
    "tpu.region"() ({
      %run_scoped3A = tpu.sem_alloc : memref<!tpu.dma_semaphore, #tpu.memory_space<semaphore_mem>>
      %dma_start3A = arith.constant 0 : i32
      %dma_start3A_101 = arith.constant 0 : i32
      %dma_start3A_102 = tpu.memref_slice %arg3[%add3A_78, %arg1, %dma_start3A, %dma_start3A_101] : memref<8x16x79x128xi32, #tpu.memory_space<hbm>> -> memref<1x1x79x128xi32, #tpu.memory_space<hbm>>
      %dma_start3A_103 = tpu.memref_squeeze %dma_start3A_102 : memref<1x1x79x128xi32, #tpu.memory_space<hbm>> -> memref<79x128xi32, #tpu.memory_space<hbm>>
      %dma_start3A_104 = arith.constant 0 : i32
      %dma_start3A_105 = arith.constant 0 : i32
      %dma_start3A_106 = tpu.memref_slice %arg3[%add3A_78, %arg1, %dma_start3A_104, %dma_start3A_105] : memref<8x16x79x128xi32, #tpu.memory_space<hbm>> -> memref<1x1x79x128xi32, #tpu.memory_space<hbm>>
      %dma_start3A_107 = tpu.memref_squeeze %dma_start3A_106 : memref<1x1x79x128xi32, #tpu.memory_space<hbm>> -> memref<79x128xi32, #tpu.memory_space<hbm>>
      tpu.enqueue_dma source(%dma_start3A_107 : memref<79x128xi32, #tpu.memory_space<hbm>>) target(%arg8 : memref<79x128xi32, #tpu.memory_space<vmem>>) target_semaphore(%run_scoped3A : memref<!tpu.dma_semaphore, #tpu.memory_space<semaphore_mem>>)
      %dma_wait3A = arith.constant 0 : i32
      %dma_wait3A_108 = arith.constant 0 : i32
      %dma_wait3A_109 = tpu.memref_slice %arg3[%add3A_78, %arg1, %dma_wait3A, %dma_wait3A_108] : memref<8x16x79x128xi32, #tpu.memory_space<hbm>> -> memref<1x1x79x128xi32, #tpu.memory_space<hbm>>
      %dma_wait3A_110 = tpu.memref_squeeze %dma_wait3A_109 : memref<1x1x79x128xi32, #tpu.memory_space<hbm>> -> memref<79x128xi32, #tpu.memory_space<hbm>>
      %dma_wait3A_111 = arith.constant 0 : i32
      %dma_wait3A_112 = arith.constant 0 : i32
      %dma_wait3A_113 = tpu.memref_slice %arg3[%add3A_78, %arg1, %dma_wait3A_111, %dma_wait3A_112] : memref<8x16x79x128xi32, #tpu.memory_space<hbm>> -> memref<1x1x79x128xi32, #tpu.memory_space<hbm>>
      %dma_wait3A_114 = tpu.memref_squeeze %dma_wait3A_113 : memref<1x1x79x128xi32, #tpu.memory_space<hbm>> -> memref<79x128xi32, #tpu.memory_space<hbm>>
      tpu.wait_dma2 semaphore(%run_scoped3A : memref<!tpu.dma_semaphore, #tpu.memory_space<semaphore_mem>>) src(%dma_wait3A_114 : memref<79x128xi32, #tpu.memory_space<hbm>>) dst(%arg8 : memref<79x128xi32, #tpu.memory_space<vmem>>)
      tpu.yield
    }) : () -> ()
    %barrier3A_91 = arith.constant 0 : index
    tpu.barrier barrier_id(%barrier3A_91)
    %scan3A_92 = arith.constant 0 : i32
    %scan3A_93 = arith.constant 0 : i32
    %scan3A_94 = arith.constant 79 : i32
    %scan3A_95 = arith.addi %scan3A_93, %scan3A_94 : i32
    %scan3A_96 = arith.constant 1 : i32
    %scan3A_97 = scf.for %scan3A_101 = %scan3A_93 to %scan3A_95 step %scan3A_96 iter_args(%scan3A_102 = %scan3A_92) -> (i32)  : i32 {
      "tpu.region"() ({
        %run_scoped3A = tpu.sem_alloc : memref<!tpu.dma_semaphore, #tpu.memory_space<semaphore_mem>>
        %dma_start3A = arith.constant 0 : i32
        %dma_start3A_104 = tpu.memref_slice %arg8[%scan3A_101, %dma_start3A] : memref<79x128xi32, #tpu.memory_space<vmem>> -> memref<1x128xi32, #tpu.memory_space<vmem>>
        %dma_start3A_105 = tpu.memref_squeeze %dma_start3A_104 : memref<1x128xi32, #tpu.memory_space<vmem>> -> memref<128xi32, #tpu.memory_space<vmem>>
        %dma_start3A_106 = arith.constant 0 : i32
        %dma_start3A_107 = arith.constant 0 : i32
        %dma_start3A_108 = tpu.memref_slice %arg2[%dma_start3A_106, %dma_start3A_107] : memref<81920x128xf32, #tpu.memory_space<hbm>> -> memref<81920x128xf32, #tpu.memory_space<hbm>>
        tpu.enqueue_indirect_dma source(%dma_start3A_108 : memref<81920x128xf32, #tpu.memory_space<hbm>>) target(%arg10 : memref<128x128xf32, #tpu.memory_space<vmem>>) offsets(%dma_start3A_105 : memref<128xi32, #tpu.memory_space<vmem>>) semaphore(%run_scoped3A : memref<!tpu.dma_semaphore, #tpu.memory_space<semaphore_mem>>)
        %dma_wait3A = arith.constant 0 : i32
        %dma_wait3A_109 = tpu.memref_slice %arg8[%scan3A_101, %dma_wait3A] : memref<79x128xi32, #tpu.memory_space<vmem>> -> memref<1x128xi32, #tpu.memory_space<vmem>>
        %dma_wait3A_110 = tpu.memref_squeeze %dma_wait3A_109 : memref<1x128xi32, #tpu.memory_space<vmem>> -> memref<128xi32, #tpu.memory_space<vmem>>
        %dma_wait3A_111 = arith.constant 0 : i32
        %dma_wait3A_112 = arith.constant 0 : i32
        %dma_wait3A_113 = tpu.memref_slice %arg2[%dma_wait3A_111, %dma_wait3A_112] : memref<81920x128xf32, #tpu.memory_space<hbm>> -> memref<81920x128xf32, #tpu.memory_space<hbm>>
        tpu.wait_indirect_dma semaphore(%run_scoped3A : memref<!tpu.dma_semaphore, #tpu.memory_space<semaphore_mem>>) src(%dma_wait3A_113 : memref<81920x128xf32, #tpu.memory_space<hbm>>) dst(%arg10 : memref<128x128xf32, #tpu.memory_space<vmem>>)
        tpu.yield
      }) : () -> ()
      "tpu.region"() ({
        %run_scoped3A = tpu.sem_alloc : memref<!tpu.dma_semaphore, #tpu.memory_space<semaphore_mem>>
        %dma_start3A = arith.constant 0 : i32
        %dma_start3A_104 = tpu.memref_slice %arg9[%scan3A_101, %dma_start3A] : memref<79x128xi32, #tpu.memory_space<vmem>> -> memref<1x128xi32, #tpu.memory_space<vmem>>
        %dma_start3A_105 = tpu.memref_squeeze %dma_start3A_104 : memref<1x128xi32, #tpu.memory_space<vmem>> -> memref<128xi32, #tpu.memory_space<vmem>>
        %dma_start3A_106 = arith.constant 0 : i32
        %dma_start3A_107 = arith.constant 0 : i32
        %dma_start3A_108 = tpu.memref_slice %arg7[%dma_start3A_106, %dma_start3A_107] : memref<10240x128xf32, #tpu.memory_space<vmem_shared>> -> memref<10240x128xf32, #tpu.memory_space<vmem_shared>>
        tpu.enqueue_indirect_dma source(%arg10 : memref<128x128xf32, #tpu.memory_space<vmem>>) target(%dma_start3A_108 : memref<10240x128xf32, #tpu.memory_space<vmem_shared>>) offsets(%dma_start3A_105 : memref<128xi32, #tpu.memory_space<vmem>>) semaphore(%run_scoped3A : memref<!tpu.dma_semaphore, #tpu.memory_space<semaphore_mem>>) {add = true}
        %dma_wait3A = arith.constant 0 : i32
        %dma_wait3A_109 = tpu.memref_slice %arg9[%scan3A_101, %dma_wait3A] : memref<79x128xi32, #tpu.memory_space<vmem>> -> memref<1x128xi32, #tpu.memory_space<vmem>>
        %dma_wait3A_110 = tpu.memref_squeeze %dma_wait3A_109 : memref<1x128xi32, #tpu.memory_space<vmem>> -> memref<128xi32, #tpu.memory_space<vmem>>
        %dma_wait3A_111 = arith.constant 0 : i32
        %dma_wait3A_112 = arith.constant 0 : i32
        %dma_wait3A_113 = tpu.memref_slice %arg7[%dma_wait3A_111, %dma_wait3A_112] : memref<10240x128xf32, #tpu.memory_space<vmem_shared>> -> memref<10240x128xf32, #tpu.memory_space<vmem_shared>>
        tpu.wait_indirect_dma semaphore(%run_scoped3A : memref<!tpu.dma_semaphore, #tpu.memory_space<semaphore_mem>>) src(%arg10 : memref<128x128xf32, #tpu.memory_space<vmem>>) dst(%dma_wait3A_113 : memref<10240x128xf32, #tpu.memory_space<vmem_shared>>)
        tpu.yield
      }) : () -> ()
      %scan3A_103 = arith.constant 0 : i32
      scf.yield %scan3A_103 : i32
    }
    %scan3A_98 = arith.constant 79 : i32
    %barrier3A_99 = arith.constant 0 : index
    tpu.barrier barrier_id(%barrier3A_99)
    "tpu.region"() ({
      %run_scoped3A = tpu.sem_alloc : memref<!tpu.dma_semaphore, #tpu.memory_space<semaphore_mem>>
      %dma_start3A = arith.constant 0 : i32
      %dma_start3A_101 = tpu.memref_slice %arg6[%add3A_78, %mul3A_0, %dma_start3A] : memref<8x10240x128xf32, #tpu.memory_space<hbm>> -> memref<1x640x128xf32, #tpu.memory_space<hbm>>
      %dma_start3A_102 = tpu.memref_squeeze %dma_start3A_101 : memref<1x640x128xf32, #tpu.memory_space<hbm>> -> memref<640x128xf32, #tpu.memory_space<hbm>>
      %dma_start3A_103 = arith.constant 0 : i32
      %dma_start3A_104 = tpu.memref_slice %arg7[%mul3A_0, %dma_start3A_103] : memref<10240x128xf32, #tpu.memory_space<vmem_shared>> -> memref<640x128xf32, #tpu.memory_space<vmem_shared>>
      tpu.enqueue_dma source(%dma_start3A_104 : memref<640x128xf32, #tpu.memory_space<vmem_shared>>) target(%dma_start3A_102 : memref<640x128xf32, #tpu.memory_space<hbm>>) target_semaphore(%run_scoped3A : memref<!tpu.dma_semaphore, #tpu.memory_space<semaphore_mem>>)
      %dma_wait3A = arith.constant 0 : i32
      %dma_wait3A_105 = tpu.memref_slice %arg6[%add3A_78, %mul3A_0, %dma_wait3A] : memref<8x10240x128xf32, #tpu.memory_space<hbm>> -> memref<1x640x128xf32, #tpu.memory_space<hbm>>
      %dma_wait3A_106 = tpu.memref_squeeze %dma_wait3A_105 : memref<1x640x128xf32, #tpu.memory_space<hbm>> -> memref<640x128xf32, #tpu.memory_space<hbm>>
      %dma_wait3A_107 = arith.constant 0 : i32
      %dma_wait3A_108 = tpu.memref_slice %arg7[%mul3A_0, %dma_wait3A_107] : memref<10240x128xf32, #tpu.memory_space<vmem_shared>> -> memref<640x128xf32, #tpu.memory_space<vmem_shared>>
      tpu.wait_dma2 semaphore(%run_scoped3A : memref<!tpu.dma_semaphore, #tpu.memory_space<semaphore_mem>>) src(%dma_wait3A_108 : memref<640x128xf32, #tpu.memory_space<vmem_shared>>) dst(%dma_wait3A_106 : memref<640x128xf32, #tpu.memory_space<hbm>>)
      tpu.yield
    }) : () -> ()
    %barrier3A_100 = arith.constant 0 : index
    tpu.barrier barrier_id(%barrier3A_100)
    return
  }
}

module attributes {stable_mosaic.version = 14 : i64} {
  func.func @_tc_layer1_body(%arg0: i32, %arg1: memref<1024x256xf32, #tpu.memory_space<vmem>>, %arg2: memref<2x1024x128xf32, #tpu.memory_space<vmem>>, %arg3: memref<1024x128xf32, #tpu.memory_space<vmem>>, %arg4: memref<256x1024xf32, #tpu.memory_space<vmem>>, %arg5: memref<256x1024xf32, #tpu.memory_space<vmem>>, %arg6: memref<1x1024xf32, #tpu.memory_space<vmem>>, %arg7: memref<1024x1024xf32, #tpu.memory_space<vmem>>, %arg8: memref<8x1024x128xf32, #tpu.memory_space<vmem>>) attributes {dimension_semantics = [#tpu.dimension_semantics<arbitrary>], iteration_bounds = array<i64: 10>, scalar_prefetch = 0 : i64, scratch_operands = 0 : i64, tpu.core_type = #tpu.core_type<tc>, window_params = [{transform_indices = @transform_0, window_bounds = array<i64: 1024, 256>}, {transform_indices = @transform_1, window_bounds = array<i64: 2, 1024, 128>}, {transform_indices = @transform_2, window_bounds = array<i64: 1024, 128>}, {pipeline_mode = #tpu.pipeline_mode<synchronous>, transform_indices = @transform_3, window_bounds = array<i64: 256, 1024>}, {pipeline_mode = #tpu.pipeline_mode<synchronous>, transform_indices = @transform_4, window_bounds = array<i64: 256, 1024>}, {pipeline_mode = #tpu.pipeline_mode<synchronous>, transform_indices = @transform_5, window_bounds = array<i64: 1, 1024>}, {transform_indices = @transform_6, window_bounds = array<i64: 1024, 1024>}, {transform_indices = @transform_7, window_bounds = array<i64: 8, 1024, 128>}]} {
    %get3A = arith.constant 0 : index
    %get3A_0 = arith.constant 0 : index
    %get3A_1 = vector.load %arg3[%get3A, %get3A_0] : memref<1024x128xf32, #tpu.memory_space<vmem>>, vector<1024x1xf32>
    %max3A = arith.constant 1.000000e+00 : f32
    %max3A_2 = vector.broadcast %max3A : f32 to vector<1024x1xf32>
    %max3A_3 = arith.maximumf %get3A_1, %max3A_2 : vector<1024x1xf32>
    %div3A = arith.constant 1.000000e+00 : f32
    %div3A_4 = vector.broadcast %div3A : f32 to vector<1024x1xf32>
    %div3A_5 = arith.divf %div3A_4, %max3A_3 : vector<1024x1xf32>
    %get3A_6 = arith.constant 0 : index
    %get3A_7 = arith.constant 0 : index
    %get3A_8 = arith.constant 0 : index
    %get3A_9 = vector.load %arg2[%get3A_6, %get3A_7, %get3A_8] : memref<2x1024x128xf32, #tpu.memory_space<vmem>>, vector<1x1024x128xf32>
    %get3A_10 = vector.shape_cast %get3A_9 : vector<1x1024x128xf32> to vector<1024x128xf32>
    %get3A_11 = arith.constant 1 : index
    %get3A_12 = arith.constant 0 : index
    %get3A_13 = arith.constant 0 : index
    %get3A_14 = vector.load %arg2[%get3A_11, %get3A_12, %get3A_13] : memref<2x1024x128xf32, #tpu.memory_space<vmem>>, vector<1x1024x128xf32>
    %get3A_15 = vector.shape_cast %get3A_14 : vector<1x1024x128xf32> to vector<1024x128xf32>
    %concatenate3A = tpu.concatenate %get3A_10, %get3A_15 in 1 : vector<1024x128xf32>, vector<1024x128xf32> -> vector<1024x256xf32>
    %mul3A = vector.broadcast %div3A_5 : vector<1024x1xf32> to vector<1024x256xf32>
    %mul3A_16 = arith.mulf %concatenate3A, %mul3A : vector<1024x256xf32>
    %get3A_17 = arith.constant 0 : index
    %get3A_18 = arith.constant 0 : index
    %get3A_19 = vector.load %arg1[%get3A_17, %get3A_18] : memref<1024x256xf32, #tpu.memory_space<vmem>>, vector<1024x256xf32>
    %get3A_20 = arith.constant 0 : index
    %get3A_21 = arith.constant 0 : index
    %get3A_22 = vector.load %arg4[%get3A_20, %get3A_21] : memref<256x1024xf32, #tpu.memory_space<vmem>>, vector<256x1024xf32>
    %dot_general3A = arith.constant dense<0.000000e+00> : vector<1024x1024xf32>
    %dot_general3A_23 = tpu.matmul %get3A_19, %get3A_22, %dot_general3A {dimension_numbers = #tpu.dot_dimension_numbers<[1], [0], [0], [1], [0, 0, 1, 1], [], []>, transpose_lhs_hint = false} : vector<1024x256xf32>, vector<256x1024xf32>, vector<1024x1024xf32> -> vector<1024x1024xf32>
    %get3A_24 = arith.constant 0 : index
    %get3A_25 = arith.constant 0 : index
    %get3A_26 = vector.load %arg5[%get3A_24, %get3A_25] : memref<256x1024xf32, #tpu.memory_space<vmem>>, vector<256x1024xf32>
    %dot_general3A_27 = arith.constant dense<0.000000e+00> : vector<1024x1024xf32>
    %dot_general3A_28 = tpu.matmul %mul3A_16, %get3A_26, %dot_general3A_27 {dimension_numbers = #tpu.dot_dimension_numbers<[1], [0], [0], [1], [0, 0, 1, 1], [], []>, transpose_lhs_hint = false} : vector<1024x256xf32>, vector<256x1024xf32>, vector<1024x1024xf32> -> vector<1024x1024xf32>
    %add3A = arith.addf %dot_general3A_23, %dot_general3A_28 : vector<1024x1024xf32>
    %get3A_29 = arith.constant 0 : index
    %get3A_30 = arith.constant 0 : index
    %get3A_31 = vector.load %arg6[%get3A_29, %get3A_30] : memref<1x1024xf32, #tpu.memory_space<vmem>>, vector<1x1024xf32>
    %add3A_32 = vector.broadcast %get3A_31 : vector<1x1024xf32> to vector<1024x1024xf32>
    %add3A_33 = arith.addf %add3A, %add3A_32 : vector<1024x1024xf32>
    %max3A_34 = arith.constant 0.000000e+00 : f32
    %max3A_35 = vector.broadcast %max3A_34 : f32 to vector<1024x1024xf32>
    %max3A_36 = arith.maximumf %add3A_33, %max3A_35 : vector<1024x1024xf32>
    %swap3A = arith.constant 0 : index
    %swap3A_37 = arith.constant 0 : index
    %swap3A_38 = vector.load %arg7[%swap3A, %swap3A_37] : memref<1024x1024xf32, #tpu.memory_space<vmem>>, vector<1024x1024xf32>
    tpu.vector_store %arg7[%swap3A, %swap3A_37], %max3A_36 {strides = array<i32>} : memref<1024x1024xf32, #tpu.memory_space<vmem>>, vector<1024x1024xf32>,
    %slice3A = vector.extract_strided_slice %max3A_36 {offsets = [0, 0], sizes = [1024, 128], strides = [1, 1]} : vector<1024x1024xf32> to vector<1024x128xf32>
    %swap3A_39 = arith.constant 0 : index
    %swap3A_40 = arith.constant 0 : index
    %swap3A_41 = arith.constant 0 : index
    %swap3A_42 = vector.load %arg8[%swap3A_39, %swap3A_40, %swap3A_41] : memref<8x1024x128xf32, #tpu.memory_space<vmem>>, vector<1x1024x128xf32>
    %swap3A_43 = vector.shape_cast %swap3A_42 : vector<1x1024x128xf32> to vector<1024x128xf32>
    %swap3A_44 = vector.shape_cast %slice3A : vector<1024x128xf32> to vector<1x1024x128xf32>
    tpu.vector_store %arg8[%swap3A_39, %swap3A_40, %swap3A_41], %swap3A_44 {strides = array<i32>} : memref<8x1024x128xf32, #tpu.memory_space<vmem>>, vector<1x1024x128xf32>,
    %slice3A_45 = vector.extract_strided_slice %max3A_36 {offsets = [0, 128], sizes = [1024, 128], strides = [1, 1]} : vector<1024x1024xf32> to vector<1024x128xf32>
    %swap3A_46 = arith.constant 1 : index
    %swap3A_47 = arith.constant 0 : index
    %swap3A_48 = arith.constant 0 : index
    %swap3A_49 = vector.load %arg8[%swap3A_46, %swap3A_47, %swap3A_48] : memref<8x1024x128xf32, #tpu.memory_space<vmem>>, vector<1x1024x128xf32>
    %swap3A_50 = vector.shape_cast %swap3A_49 : vector<1x1024x128xf32> to vector<1024x128xf32>
    %swap3A_51 = vector.shape_cast %slice3A_45 : vector<1024x128xf32> to vector<1x1024x128xf32>
    tpu.vector_store %arg8[%swap3A_46, %swap3A_47, %swap3A_48], %swap3A_51 {strides = array<i32>} : memref<8x1024x128xf32, #tpu.memory_space<vmem>>, vector<1x1024x128xf32>,
    %slice3A_52 = vector.extract_strided_slice %max3A_36 {offsets = [0, 256], sizes = [1024, 128], strides = [1, 1]} : vector<1024x1024xf32> to vector<1024x128xf32>
    %swap3A_53 = arith.constant 2 : index
    %swap3A_54 = arith.constant 0 : index
    %swap3A_55 = arith.constant 0 : index
    %swap3A_56 = vector.load %arg8[%swap3A_53, %swap3A_54, %swap3A_55] : memref<8x1024x128xf32, #tpu.memory_space<vmem>>, vector<1x1024x128xf32>
    %swap3A_57 = vector.shape_cast %swap3A_56 : vector<1x1024x128xf32> to vector<1024x128xf32>
    %swap3A_58 = vector.shape_cast %slice3A_52 : vector<1024x128xf32> to vector<1x1024x128xf32>
    tpu.vector_store %arg8[%swap3A_53, %swap3A_54, %swap3A_55], %swap3A_58 {strides = array<i32>} : memref<8x1024x128xf32, #tpu.memory_space<vmem>>, vector<1x1024x128xf32>,
    %slice3A_59 = vector.extract_strided_slice %max3A_36 {offsets = [0, 384], sizes = [1024, 128], strides = [1, 1]} : vector<1024x1024xf32> to vector<1024x128xf32>
    %swap3A_60 = arith.constant 3 : index
    %swap3A_61 = arith.constant 0 : index
    %swap3A_62 = arith.constant 0 : index
    %swap3A_63 = vector.load %arg8[%swap3A_60, %swap3A_61, %swap3A_62] : memref<8x1024x128xf32, #tpu.memory_space<vmem>>, vector<1x1024x128xf32>
    %swap3A_64 = vector.shape_cast %swap3A_63 : vector<1x1024x128xf32> to vector<1024x128xf32>
    %swap3A_65 = vector.shape_cast %slice3A_59 : vector<1024x128xf32> to vector<1x1024x128xf32>
    tpu.vector_store %arg8[%swap3A_60, %swap3A_61, %swap3A_62], %swap3A_65 {strides = array<i32>} : memref<8x1024x128xf32, #tpu.memory_space<vmem>>, vector<1x1024x128xf32>,
    %slice3A_66 = vector.extract_strided_slice %max3A_36 {offsets = [0, 512], sizes = [1024, 128], strides = [1, 1]} : vector<1024x1024xf32> to vector<1024x128xf32>
    %swap3A_67 = arith.constant 4 : index
    %swap3A_68 = arith.constant 0 : index
    %swap3A_69 = arith.constant 0 : index
    %swap3A_70 = vector.load %arg8[%swap3A_67, %swap3A_68, %swap3A_69] : memref<8x1024x128xf32, #tpu.memory_space<vmem>>, vector<1x1024x128xf32>
    %swap3A_71 = vector.shape_cast %swap3A_70 : vector<1x1024x128xf32> to vector<1024x128xf32>
    %swap3A_72 = vector.shape_cast %slice3A_66 : vector<1024x128xf32> to vector<1x1024x128xf32>
    tpu.vector_store %arg8[%swap3A_67, %swap3A_68, %swap3A_69], %swap3A_72 {strides = array<i32>} : memref<8x1024x128xf32, #tpu.memory_space<vmem>>, vector<1x1024x128xf32>,
    %slice3A_73 = vector.extract_strided_slice %max3A_36 {offsets = [0, 640], sizes = [1024, 128], strides = [1, 1]} : vector<1024x1024xf32> to vector<1024x128xf32>
    %swap3A_74 = arith.constant 5 : index
    %swap3A_75 = arith.constant 0 : index
    %swap3A_76 = arith.constant 0 : index
    %swap3A_77 = vector.load %arg8[%swap3A_74, %swap3A_75, %swap3A_76] : memref<8x1024x128xf32, #tpu.memory_space<vmem>>, vector<1x1024x128xf32>
    %swap3A_78 = vector.shape_cast %swap3A_77 : vector<1x1024x128xf32> to vector<1024x128xf32>
    %swap3A_79 = vector.shape_cast %slice3A_73 : vector<1024x128xf32> to vector<1x1024x128xf32>
    tpu.vector_store %arg8[%swap3A_74, %swap3A_75, %swap3A_76], %swap3A_79 {strides = array<i32>} : memref<8x1024x128xf32, #tpu.memory_space<vmem>>, vector<1x1024x128xf32>,
    %slice3A_80 = vector.extract_strided_slice %max3A_36 {offsets = [0, 768], sizes = [1024, 128], strides = [1, 1]} : vector<1024x1024xf32> to vector<1024x128xf32>
    %swap3A_81 = arith.constant 6 : index
    %swap3A_82 = arith.constant 0 : index
    %swap3A_83 = arith.constant 0 : index
    %swap3A_84 = vector.load %arg8[%swap3A_81, %swap3A_82, %swap3A_83] : memref<8x1024x128xf32, #tpu.memory_space<vmem>>, vector<1x1024x128xf32>
    %swap3A_85 = vector.shape_cast %swap3A_84 : vector<1x1024x128xf32> to vector<1024x128xf32>
    %swap3A_86 = vector.shape_cast %slice3A_80 : vector<1024x128xf32> to vector<1x1024x128xf32>
    tpu.vector_store %arg8[%swap3A_81, %swap3A_82, %swap3A_83], %swap3A_86 {strides = array<i32>} : memref<8x1024x128xf32, #tpu.memory_space<vmem>>, vector<1x1024x128xf32>,
    %slice3A_87 = vector.extract_strided_slice %max3A_36 {offsets = [0, 896], sizes = [1024, 128], strides = [1, 1]} : vector<1024x1024xf32> to vector<1024x128xf32>
    %swap3A_88 = arith.constant 7 : index
    %swap3A_89 = arith.constant 0 : index
    %swap3A_90 = arith.constant 0 : index
    %swap3A_91 = vector.load %arg8[%swap3A_88, %swap3A_89, %swap3A_90] : memref<8x1024x128xf32, #tpu.memory_space<vmem>>, vector<1x1024x128xf32>
    %swap3A_92 = vector.shape_cast %swap3A_91 : vector<1x1024x128xf32> to vector<1024x128xf32>
    %swap3A_93 = vector.shape_cast %slice3A_87 : vector<1024x128xf32> to vector<1x1024x128xf32>
    tpu.vector_store %arg8[%swap3A_88, %swap3A_89, %swap3A_90], %swap3A_93 {strides = array<i32>} : memref<8x1024x128xf32, #tpu.memory_space<vmem>>, vector<1x1024x128xf32>,
    return
  }
  func.func @transform_0(%arg0: i32) -> (i32, i32) {
    %c0_i32 = arith.constant 0 : i32
    %c0_i32_0 = arith.constant 0 : i32
    return %arg0, %c0_i32 : i32, i32
  }
  func.func @transform_1(%arg0: i32) -> (i32, i32, i32) {
    %c0_i32 = arith.constant 0 : i32
    %c0_i32_0 = arith.constant 0 : i32
    %c0_i32_1 = arith.constant 0 : i32
    return %c0_i32, %arg0, %c0_i32_0 : i32, i32, i32
  }
  func.func @transform_2(%arg0: i32) -> (i32, i32) {
    %c0_i32 = arith.constant 0 : i32
    %c0_i32_0 = arith.constant 0 : i32
    return %arg0, %c0_i32 : i32, i32
  }
  func.func @transform_3(%arg0: i32) -> (i32, i32) {
    %c0_i32 = arith.constant 0 : i32
    %c0_i32_0 = arith.constant 0 : i32
    %c0_i32_1 = arith.constant 0 : i32
    return %c0_i32, %c0_i32_0 : i32, i32
  }
  func.func @transform_4(%arg0: i32) -> (i32, i32) {
    %c0_i32 = arith.constant 0 : i32
    %c0_i32_0 = arith.constant 0 : i32
    %c0_i32_1 = arith.constant 0 : i32
    return %c0_i32, %c0_i32_0 : i32, i32
  }
  func.func @transform_5(%arg0: i32) -> (i32, i32) {
    %c0_i32 = arith.constant 0 : i32
    %c0_i32_0 = arith.constant 0 : i32
    %c0_i32_1 = arith.constant 0 : i32
    return %c0_i32, %c0_i32_0 : i32, i32
  }
  func.func @transform_6(%arg0: i32) -> (i32, i32) {
    %c0_i32 = arith.constant 0 : i32
    %c0_i32_0 = arith.constant 0 : i32
    return %arg0, %c0_i32 : i32, i32
  }
  func.func @transform_7(%arg0: i32) -> (i32, i32, i32) {
    %c0_i32 = arith.constant 0 : i32
    %c0_i32_0 = arith.constant 0 : i32
    %c0_i32_1 = arith.constant 0 : i32
    return %c0_i32, %arg0, %c0_i32_0 : i32, i32, i32
  }
}

module attributes {stable_mosaic.version = 14 : i64} {
  func.func @_tc_layer2_body(%arg0: i32, %arg1: memref<1024x1024xf32, #tpu.memory_space<vmem>>, %arg2: memref<8x1024x128xf32, #tpu.memory_space<vmem>>, %arg3: memref<1024x128xf32, #tpu.memory_space<vmem>>, %arg4: memref<1024x1024xf32, #tpu.memory_space<vmem>>, %arg5: memref<1024x1024xf32, #tpu.memory_space<vmem>>, %arg6: memref<1x1024xf32, #tpu.memory_space<vmem>>, %arg7: memref<1024x1024xf32, #tpu.memory_space<vmem>>, %arg8: memref<1x1024xf32, #tpu.memory_space<vmem>>, %arg9: memref<1024x1024xf32, #tpu.memory_space<vmem>>) attributes {dimension_semantics = [#tpu.dimension_semantics<arbitrary>], iteration_bounds = array<i64: 10>, scalar_prefetch = 0 : i64, scratch_operands = 0 : i64, tpu.core_type = #tpu.core_type<tc>, window_params = [{transform_indices = @transform_0, window_bounds = array<i64: 1024, 1024>}, {transform_indices = @transform_1, window_bounds = array<i64: 8, 1024, 128>}, {transform_indices = @transform_2, window_bounds = array<i64: 1024, 128>}, {pipeline_mode = #tpu.pipeline_mode<synchronous>, transform_indices = @transform_3, window_bounds = array<i64: 1024, 1024>}, {pipeline_mode = #tpu.pipeline_mode<synchronous>, transform_indices = @transform_4, window_bounds = array<i64: 1024, 1024>}, {pipeline_mode = #tpu.pipeline_mode<synchronous>, transform_indices = @transform_5, window_bounds = array<i64: 1, 1024>}, {pipeline_mode = #tpu.pipeline_mode<synchronous>, transform_indices = @transform_6, window_bounds = array<i64: 1024, 1024>}, {pipeline_mode = #tpu.pipeline_mode<synchronous>, transform_indices = @transform_7, window_bounds = array<i64: 1, 1024>}, {transform_indices = @transform_8, window_bounds = array<i64: 1024, 1024>}]} {
    %get3A = arith.constant 0 : index
    %get3A_0 = arith.constant 0 : index
    %get3A_1 = vector.load %arg3[%get3A, %get3A_0] : memref<1024x128xf32, #tpu.memory_space<vmem>>, vector<1024x1xf32>
    %max3A = arith.constant 1.000000e+00 : f32
    %max3A_2 = vector.broadcast %max3A : f32 to vector<1024x1xf32>
    %max3A_3 = arith.maximumf %get3A_1, %max3A_2 : vector<1024x1xf32>
    %div3A = arith.constant 1.000000e+00 : f32
    %div3A_4 = vector.broadcast %div3A : f32 to vector<1024x1xf32>
    %div3A_5 = arith.divf %div3A_4, %max3A_3 : vector<1024x1xf32>
    %get3A_6 = arith.constant 0 : index
    %get3A_7 = arith.constant 0 : index
    %get3A_8 = arith.constant 0 : index
    %get3A_9 = vector.load %arg2[%get3A_6, %get3A_7, %get3A_8] : memref<8x1024x128xf32, #tpu.memory_space<vmem>>, vector<1x1024x128xf32>
    %get3A_10 = vector.shape_cast %get3A_9 : vector<1x1024x128xf32> to vector<1024x128xf32>
    %get3A_11 = arith.constant 1 : index
    %get3A_12 = arith.constant 0 : index
    %get3A_13 = arith.constant 0 : index
    %get3A_14 = vector.load %arg2[%get3A_11, %get3A_12, %get3A_13] : memref<8x1024x128xf32, #tpu.memory_space<vmem>>, vector<1x1024x128xf32>
    %get3A_15 = vector.shape_cast %get3A_14 : vector<1x1024x128xf32> to vector<1024x128xf32>
    %get3A_16 = arith.constant 2 : index
    %get3A_17 = arith.constant 0 : index
    %get3A_18 = arith.constant 0 : index
    %get3A_19 = vector.load %arg2[%get3A_16, %get3A_17, %get3A_18] : memref<8x1024x128xf32, #tpu.memory_space<vmem>>, vector<1x1024x128xf32>
    %get3A_20 = vector.shape_cast %get3A_19 : vector<1x1024x128xf32> to vector<1024x128xf32>
    %get3A_21 = arith.constant 3 : index
    %get3A_22 = arith.constant 0 : index
    %get3A_23 = arith.constant 0 : index
    %get3A_24 = vector.load %arg2[%get3A_21, %get3A_22, %get3A_23] : memref<8x1024x128xf32, #tpu.memory_space<vmem>>, vector<1x1024x128xf32>
    %get3A_25 = vector.shape_cast %get3A_24 : vector<1x1024x128xf32> to vector<1024x128xf32>
    %get3A_26 = arith.constant 4 : index
    %get3A_27 = arith.constant 0 : index
    %get3A_28 = arith.constant 0 : index
    %get3A_29 = vector.load %arg2[%get3A_26, %get3A_27, %get3A_28] : memref<8x1024x128xf32, #tpu.memory_space<vmem>>, vector<1x1024x128xf32>
    %get3A_30 = vector.shape_cast %get3A_29 : vector<1x1024x128xf32> to vector<1024x128xf32>
    %get3A_31 = arith.constant 5 : index
    %get3A_32 = arith.constant 0 : index
    %get3A_33 = arith.constant 0 : index
    %get3A_34 = vector.load %arg2[%get3A_31, %get3A_32, %get3A_33] : memref<8x1024x128xf32, #tpu.memory_space<vmem>>, vector<1x1024x128xf32>
    %get3A_35 = vector.shape_cast %get3A_34 : vector<1x1024x128xf32> to vector<1024x128xf32>
    %get3A_36 = arith.constant 6 : index
    %get3A_37 = arith.constant 0 : index
    %get3A_38 = arith.constant 0 : index
    %get3A_39 = vector.load %arg2[%get3A_36, %get3A_37, %get3A_38] : memref<8x1024x128xf32, #tpu.memory_space<vmem>>, vector<1x1024x128xf32>
    %get3A_40 = vector.shape_cast %get3A_39 : vector<1x1024x128xf32> to vector<1024x128xf32>
    %get3A_41 = arith.constant 7 : index
    %get3A_42 = arith.constant 0 : index
    %get3A_43 = arith.constant 0 : index
    %get3A_44 = vector.load %arg2[%get3A_41, %get3A_42, %get3A_43] : memref<8x1024x128xf32, #tpu.memory_space<vmem>>, vector<1x1024x128xf32>
    %get3A_45 = vector.shape_cast %get3A_44 : vector<1x1024x128xf32> to vector<1024x128xf32>
    %concatenate3A = tpu.concatenate %get3A_10, %get3A_15, %get3A_20, %get3A_25, %get3A_30, %get3A_35, %get3A_40, %get3A_45 in 1 : vector<1024x128xf32>, vector<1024x128xf32>, vector<1024x128xf32>, vector<1024x128xf32>, vector<1024x128xf32>, vector<1024x128xf32>, vector<1024x128xf32>, vector<1024x128xf32> -> vector<1024x1024xf32>
    %mul3A = vector.broadcast %div3A_5 : vector<1024x1xf32> to vector<1024x1024xf32>
    %mul3A_46 = arith.mulf %concatenate3A, %mul3A : vector<1024x1024xf32>
    %get3A_47 = arith.constant 0 : index
    %get3A_48 = arith.constant 0 : index
    %get3A_49 = vector.load %arg1[%get3A_47, %get3A_48] : memref<1024x1024xf32, #tpu.memory_space<vmem>>, vector<1024x1024xf32>
    %get3A_50 = arith.constant 0 : index
    %get3A_51 = arith.constant 0 : index
    %get3A_52 = vector.load %arg4[%get3A_50, %get3A_51] : memref<1024x1024xf32, #tpu.memory_space<vmem>>, vector<1024x1024xf32>
    %dot_general3A = arith.constant dense<0.000000e+00> : vector<1024x1024xf32>
    %dot_general3A_53 = tpu.matmul %get3A_49, %get3A_52, %dot_general3A {dimension_numbers = #tpu.dot_dimension_numbers<[1], [0], [0], [1], [0, 0, 1, 1], [], []>, transpose_lhs_hint = false} : vector<1024x1024xf32>, vector<1024x1024xf32>, vector<1024x1024xf32> -> vector<1024x1024xf32>
    %get3A_54 = arith.constant 0 : index
    %get3A_55 = arith.constant 0 : index
    %get3A_56 = vector.load %arg5[%get3A_54, %get3A_55] : memref<1024x1024xf32, #tpu.memory_space<vmem>>, vector<1024x1024xf32>
    %dot_general3A_57 = arith.constant dense<0.000000e+00> : vector<1024x1024xf32>
    %dot_general3A_58 = tpu.matmul %mul3A_46, %get3A_56, %dot_general3A_57 {dimension_numbers = #tpu.dot_dimension_numbers<[1], [0], [0], [1], [0, 0, 1, 1], [], []>, transpose_lhs_hint = false} : vector<1024x1024xf32>, vector<1024x1024xf32>, vector<1024x1024xf32> -> vector<1024x1024xf32>
    %add3A = arith.addf %dot_general3A_53, %dot_general3A_58 : vector<1024x1024xf32>
    %get3A_59 = arith.constant 0 : index
    %get3A_60 = arith.constant 0 : index
    %get3A_61 = vector.load %arg6[%get3A_59, %get3A_60] : memref<1x1024xf32, #tpu.memory_space<vmem>>, vector<1x1024xf32>
    %add3A_62 = vector.broadcast %get3A_61 : vector<1x1024xf32> to vector<1024x1024xf32>
    %add3A_63 = arith.addf %add3A, %add3A_62 : vector<1024x1024xf32>
    %integer_pow3A = arith.mulf %add3A_63, %add3A_63 : vector<1024x1024xf32>
    %integer_pow3A_64 = arith.mulf %add3A_63, %integer_pow3A : vector<1024x1024xf32>
    %mul3A_65 = arith.constant 4.471500e-02 : f32
    %mul3A_66 = vector.broadcast %mul3A_65 : f32 to vector<1024x1024xf32>
    %mul3A_67 = arith.mulf %mul3A_66, %integer_pow3A_64 : vector<1024x1024xf32>
    %add3A_68 = arith.addf %add3A_63, %mul3A_67 : vector<1024x1024xf32>
    %mul3A_69 = arith.constant 0.797884583 : f32
    %mul3A_70 = vector.broadcast %mul3A_69 : f32 to vector<1024x1024xf32>
    %mul3A_71 = arith.mulf %mul3A_70, %add3A_68 : vector<1024x1024xf32>
    %tanh3A = math.tanh %mul3A_71 : vector<1024x1024xf32>
    %add3A_72 = arith.constant 1.000000e+00 : f32
    %add3A_73 = vector.broadcast %add3A_72 : f32 to vector<1024x1024xf32>
    %add3A_74 = arith.addf %add3A_73, %tanh3A : vector<1024x1024xf32>
    %mul3A_75 = arith.constant 5.000000e-01 : f32
    %mul3A_76 = vector.broadcast %mul3A_75 : f32 to vector<1024x1024xf32>
    %mul3A_77 = arith.mulf %mul3A_76, %add3A_74 : vector<1024x1024xf32>
    %mul3A_78 = arith.mulf %add3A_63, %mul3A_77 : vector<1024x1024xf32>
    %get3A_79 = arith.constant 0 : index
    %get3A_80 = arith.constant 0 : index
    %get3A_81 = vector.load %arg7[%get3A_79, %get3A_80] : memref<1024x1024xf32, #tpu.memory_space<vmem>>, vector<1024x1024xf32>
    %dot_general3A_82 = arith.constant dense<0.000000e+00> : vector<1024x1024xf32>
    %dot_general3A_83 = tpu.matmul %mul3A_78, %get3A_81, %dot_general3A_82 {dimension_numbers = #tpu.dot_dimension_numbers<[1], [0], [0], [1], [0, 0, 1, 1], [], []>, transpose_lhs_hint = false} : vector<1024x1024xf32>, vector<1024x1024xf32>, vector<1024x1024xf32> -> vector<1024x1024xf32>
    %get3A_84 = arith.constant 0 : index
    %get3A_85 = arith.constant 0 : index
    %get3A_86 = vector.load %arg8[%get3A_84, %get3A_85] : memref<1x1024xf32, #tpu.memory_space<vmem>>, vector<1x1024xf32>
    %add3A_87 = vector.broadcast %get3A_86 : vector<1x1024xf32> to vector<1024x1024xf32>
    %add3A_88 = arith.addf %dot_general3A_83, %add3A_87 : vector<1024x1024xf32>
    %swap3A = arith.constant 0 : index
    %swap3A_89 = arith.constant 0 : index
    %swap3A_90 = vector.load %arg9[%swap3A, %swap3A_89] : memref<1024x1024xf32, #tpu.memory_space<vmem>>, vector<1024x1024xf32>
    tpu.vector_store %arg9[%swap3A, %swap3A_89], %add3A_88 {strides = array<i32>} : memref<1024x1024xf32, #tpu.memory_space<vmem>>, vector<1024x1024xf32>,
    return
  }
  func.func @transform_0(%arg0: i32) -> (i32, i32) {
    %c0_i32 = arith.constant 0 : i32
    %c0_i32_0 = arith.constant 0 : i32
    return %arg0, %c0_i32 : i32, i32
  }
  func.func @transform_1(%arg0: i32) -> (i32, i32, i32) {
    %c0_i32 = arith.constant 0 : i32
    %c0_i32_0 = arith.constant 0 : i32
    %c0_i32_1 = arith.constant 0 : i32
    return %c0_i32, %arg0, %c0_i32_0 : i32, i32, i32
  }
  func.func @transform_2(%arg0: i32) -> (i32, i32) {
    %c0_i32 = arith.constant 0 : i32
    %c0_i32_0 = arith.constant 0 : i32
    return %arg0, %c0_i32 : i32, i32
  }
  func.func @transform_3(%arg0: i32) -> (i32, i32) {
    %c0_i32 = arith.constant 0 : i32
    %c0_i32_0 = arith.constant 0 : i32
    %c0_i32_1 = arith.constant 0 : i32
    return %c0_i32, %c0_i32_0 : i32, i32
  }
  func.func @transform_4(%arg0: i32) -> (i32, i32) {
    %c0_i32 = arith.constant 0 : i32
    %c0_i32_0 = arith.constant 0 : i32
    %c0_i32_1 = arith.constant 0 : i32
    return %c0_i32, %c0_i32_0 : i32, i32
  }
  func.func @transform_5(%arg0: i32) -> (i32, i32) {
    %c0_i32 = arith.constant 0 : i32
    %c0_i32_0 = arith.constant 0 : i32
    %c0_i32_1 = arith.constant 0 : i32
    return %c0_i32, %c0_i32_0 : i32, i32
  }
  func.func @transform_6(%arg0: i32) -> (i32, i32) {
    %c0_i32 = arith.constant 0 : i32
    %c0_i32_0 = arith.constant 0 : i32
    %c0_i32_1 = arith.constant 0 : i32
    return %c0_i32, %c0_i32_0 : i32, i32
  }
  func.func @transform_7(%arg0: i32) -> (i32, i32) {
    %c0_i32 = arith.constant 0 : i32
    %c0_i32_0 = arith.constant 0 : i32
    %c0_i32_1 = arith.constant 0 : i32
    return %c0_i32, %c0_i32_0 : i32, i32
  }
  func.func @transform_8(%arg0: i32) -> (i32, i32) {
    %c0_i32 = arith.constant 0 : i32
    %c0_i32_0 = arith.constant 0 : i32
    return %arg0, %c0_i32 : i32, i32
  }
}

</mosaic_0001>

<sc_bundles>
// kernel: kernel.6.cloned.1.call-start
scs
__scs_entry_jumppad:
0x0: {  	(pc) =	sbr.rel $0x88, $3  }
0x1: {  	(tag) =	ssettag $0x0;
	lr =	simm.s32 $0x1  }
0x2: {  	[smem:$0x3F97] =	sst lr;
	_ =	strace $0xD0000000  }
0x3: {  	_ = 	snop  }
0x4: {  	_ = 	snop  }
0x5: {  	_ = 	snop  }
0x6: {  	_ = 	snop  }
0x7: {  	_ = 	snop  }
__scs_overlays_trampoline_lowered:
0x8: {  	[smem:$0x3FA6] =	sst s0  }
0x9: {  	[smem:$0x3FA7] =	sst s1  }
0xa: {  	[smem:$0x3FA8] =	sst s2  }
0xb: {  	[smem:$0x3FA9] =	sst s3  }
0xc: {  	[smem:$0x3FAA] =	sst s4  }
0xd: {  	[smem:$0x3FAB] =	sst s5  }
0xe: {  	[smem:$0x3FAC] =	sst s6  }
0xf: {  	[smem:$0x3FAD] =	sst s7  }
0x10: {  	[smem:$0x3FAE] =	sst s8  }
0x11: {  	[smem:$0x3FAF] =	sst s9;
	s0 =	simm.s32 @!p0 $0x0  }
0x12: {  	s1 =	sld [smem:$0x3F95];
	s0 =	simm.s32 @p0 $0x1  }
0x13: {  	[smem:$0x3FB0] =	sst s0;
	s0 =	simm.s32 @!p1 $0x0  }
0x14: {  	s2 =	sld [smem:$0x3F94];
	s0 =	simm.s32 @p1 $0x1  }
0x15: {  	[smem:$0x3FB1] =	sst s0;
	s0 =	simm.s32 @!p2 $0x0  }
0x16: {  	s3 =	sld [smem:$0x3FDB];
	s0 =	simm.s32 @p2 $0x1  }
0x17: {  	s4 =	simm.s32 $0x1BF5;
	[smem:$0x3FB3] =	sst s0  }
0x18: {  	s0 =	sld [smem:$0x3F96];
	_ =	swait.ge [sflag:s4], $0x0  }
0x19: {  	s7 =	sld [smem:$0x3F97]  }
0x1a: {  	s8 =	sadd.s32 $0xFFFFE003, lr  }
0x1b: {  	s9 =	sadd.s32 $0xFFFFFEF7, lr;
	s5 =	simm.s32 $0xFFFFFFFF;
	p2 =	slt.u32 s8, $0xFFFFF086  }
0x1c: {  	p1 =	slt.u32 s9, $0xF7A;
	s5 =	simm.s32 @!p2 $0x0  }
0x1d: {  	s5 =	simm.s32 @p1 $0x1;
	p0 =	seq.s32 s7, s2  }
0x1e: {  	s7 =	smul.u32 @!p0 $0xF7A, s2;
	p2 =	seq.s32 @!p0 s5, $0x0  }
0x1f: {  	s9 =	smul.u32 $0xF7A, s1;
	s8 =	simm.s32 @!p0 $0x1BF5;
	p2 =	por !p2, p0  }
0x20: {  	[sflag:s8] =	ssyncset.s32 @!p0 $0xFFFFF086;
	s6 =	sadd.s32 @!p0 s3, s7;
	s7 =	simm.s32 @!p0 $0x108  }
0x21: {  	s3 =	sadd.s32 s3, s9;
	s6 =	sadd.s32 @!p0 $0x88, s6;
	s7 =	simm.s32 @p2 $0x1082  }
0x22: {  	[simem:s7], [sflag:s8] =	dma.local @!p0 [hbm:s6], $0xF7A  }
0x23: {  	s9 =	sor.u32 $0xD0000000, s2;
	s6 =	simm.s32 $0x108;
	_ =	swait.ge @!p0 [sflag:s8], $0x0  }
0x24: {  	s3 =	sadd.s32 $0x88, s3;
	s6 =	simm.s32 @!p1 $0x1082;
	[sflag:s4] =	ssyncset.s32 $0xFFFFF086  }
0x25: {  	[simem:s6], [sflag:s4] =	dma.local [hbm:s3], $0xF7A  }
0x26: {  	[smem:$0x3F97] =	sst s1;
	(tag) =	ssettag s2;
	_ =	strace s9  }
0x27: {  	s1 =	sld [smem:$0x3FA7]  }
0x28: {  	s2 =	sld [smem:$0x3FA8]  }
0x29: {  	s4 =	sld [smem:$0x3FAA]  }
0x2a: {  	p0 =	seq.s32 s5, $0x0;
	s5 =	sld [smem:$0x3FAB]  }
0x2b: {  	s6 =	sld [smem:$0x3FAC]  }
0x2c: {  	s7 =	sld [smem:$0x3FAD]  }
0x2d: {  	s3 =	simm.s32 $0x108;
	s8 =	sld [smem:$0x3FAE]  }
0x2e: {  	s3 =	simm.s32 @!p0 $0x1082;
	s9 =	sld [smem:$0x3FAF]  }
0x2f: {  	lr =	sadd.s32 s0, s3;
	s0 =	sld [smem:$0x3FA6]  }
0x30: {  	s3 =	sld [smem:$0x3FA9]  }
0x31: {  	[smem:$0x3FB2] =	sst s10  }
0x32: {  	s10 =	sld [smem:$0x3FB0];
	_ =	sdelay $0x3  }
0x33: {  	p0 =	seq.s32 s10, $0x1;
	s10 =	sld [smem:$0x3FB2];
	_ =	sdelay $0x3  }
0x34: {  	[smem:$0x3FB2] =	sst s10  }
0x35: {  	s10 =	sld [smem:$0x3FB1];
	_ =	sdelay $0x3  }
0x36: {  	p1 =	seq.s32 s10, $0x1;
	s10 =	sld [smem:$0x3FB2];
	_ =	sdelay $0x3  }
0x37: {  	[smem:$0x3FB2] =	sst s10  }
0x38: {  	s10 =	sld [smem:$0x3FB3]  }
0x39: {  	_ = 	snop;
	(pc) =	sbr.ind lr, $3  }
0x3a: {  	_ = 	snop  }
0x3b: {  	_ = 	snop  }
0x3c: {  	p2 =	seq.s32 s10, $0x1;
	s10 =	sld [smem:$0x3FB2]  }
0x3d: {  	_ =	shalt  }
0x3e: {  	_ =	shalt  }
0x3f: {  	_ =	shalt  }
0x40: {  	_ =	shalt  }
0x41: {  	_ =	shalt  }
0x42: {  	_ =	shalt  }
0x43: {  	_ =	shalt  }
0x44: {  	_ =	shalt  }
0x45: {  	_ =	shalt  }
0x46: {  	_ =	shalt  }
0x47: {  	_ =	shalt  }
0x48: {  	_ =	shalt  }
0x49: {  	_ =	shalt  }
0x4a: {  	_ =	shalt  }
0x4b: {  	_ =	shalt  }
0x4c: {  	_ =	shalt  }
0x4d: {  	_ =	shalt  }
0x4e: {  	_ =	shalt  }
0x4f: {  	_ =	shalt  }
0x50: {  	_ =	shalt  }
0x51: {  	_ =	shalt  }
0x52: {  	_ =	shalt  }
0x53: {  	_ =	shalt  }
0x54: {  	_ =	shalt  }
0x55: {  	_ =	shalt  }
0x56: {  	_ =	shalt  }
0x57: {  	_ =	shalt  }
0x58: {  	_ =	shalt  }
0x59: {  	_ =	shalt  }
0x5a: {  	_ =	shalt  }
0x5b: {  	_ =	shalt  }
0x5c: {  	_ =	shalt  }
0x5d: {  	_ =	shalt  }
0x5e: {  	_ =	shalt  }
0x5f: {  	_ =	shalt  }
0x60: {  	_ =	shalt  }
0x61: {  	_ =	shalt  }
0x62: {  	_ =	shalt  }
0x63: {  	_ =	shalt  }
0x64: {  	_ =	shalt  }
0x65: {  	_ =	shalt  }
0x66: {  	_ =	shalt  }
0x67: {  	_ =	shalt  }
0x68: {  	_ =	shalt  }
0x69: {  	_ =	shalt  }
0x6a: {  	_ =	shalt  }
0x6b: {  	_ =	shalt  }
0x6c: {  	_ =	shalt  }
0x6d: {  	_ =	shalt  }
0x6e: {  	_ =	shalt  }
0x6f: {  	_ =	shalt  }
0x70: {  	_ =	shalt  }
0x71: {  	_ =	shalt  }
0x72: {  	_ =	shalt  }
0x73: {  	_ =	shalt  }
0x74: {  	_ =	shalt  }
0x75: {  	_ =	shalt  }
0x76: {  	_ =	shalt  }
0x77: {  	_ =	shalt  }
0x78: {  	_ =	shalt  }
0x79: {  	_ =	shalt  }
0x7a: {  	_ =	shalt  }
0x7b: {  	_ =	shalt  }
0x7c: {  	_ =	shalt  }
0x7d: {  	_ =	shalt  }
0x7e: {  	_ =	shalt  }
0x7f: {  	_ =	shalt  }
0x80: {  	_ =	shalt  }
0x81: {  	_ =	shalt  }
0x82: {  	_ =	shalt  }
0x83: {  	_ =	shalt  }
0x84: {  	_ =	shalt  }
0x85: {  	_ =	shalt  }
0x86: {  	_ =	shalt  }
0x87: {  	_ =	shalt  }
.Lfunc_end0:
.L_simem_size_0:
called_computation_lowered:
.L_overlay_start_0:
0x88: {  	s2 =	sld [smem:$0x3FD9]  }
0x89: {  	s3 =	sld [smem:$0x3FFE];
	_ =	sdelay $0x1  }
0x8a: {  	s1 =	srdreg.scid  }
0x8b: {  	s0 =	sand.u32 $0x1, s1  }
0x8c: {  	s17 =	sshll.u32 s0, $0xA;
	s2 =	sadd.s32 s3, s2  }
0x8d: {  	s2 =	sadd.s32 s2, s17  }
0x8e: {  	[smem:$0x3FBE] =	sst s2  }
0x8f: {  	_ = 	snop  }
0x90: {  	s2 =	sld [smem:$0x3FD0];
	(tm) =	ssettm $0x1  }
0x91: {  	s18 =	sld [smem:$0x3FFB];
	_ =	sdelay $0x3  }
0x92: {  	_ =	strace s18  }
0x93: {  	s3 =	sld [smem:$0x3FFC];
	_ =	sdelay $0x3  }
0x94: {  	_ =	strace s3  }
0x95: {  	s3 =	sld [smem:$0x3FFD];
	_ =	sdelay $0x3  }
0x96: {  	_ =	strace s3  }
0x97: {  	_ =	strace $0x8FFFFFFF  }
0x98: {  	s19 =	sld [smem:$0x3FDB];
	_ =	sdelay $0x1  }
0x99: {  	s4 =	simm.s32 $_scs_section_size  }
0x9a: {  	s5 =	simm.s32 $_size__tile_overlayer_lowered;
	s6 =	simm.s32 $_tile_overlayer_lowered  }
0x9b: {  	s22 =	simm.s32 $0x1BFF;
	s21 =	sshll.u32 s6, $0x1;
	s3 =	sadd.s32 s4, s19  }
0x9c: {  	s7 =	simm.s32 $0x0;
	s20 =	sshll.u32 s5, $0x1;
	s5 =	sadd.s32 s21, s3  }
0x9d: {  	[timem:s7], [sflag:s22] =	dma.local [hbm:s5], s20  }
0x9e: {  	_ =	swait.ge [sflag:s22], s20  }
0x9f: {  	s4 =	ssub.s32 $0x0, s20;
	[sflag:s22] =	ssyncset.done $0x0  }
0xa0: {  	[sflag:s22] =	ssyncadd.s32 s4;
	_ =	sdelay $0x1  }
0xa1: {  	s23 =	simm.s32 $0x1B8B  }
0xa2: {  	_ =	swait.ge [sflag:s23], $0x1  }
0xa3: {  	[sflag:s23] =	ssyncset.done $0x0  }
0xa4: {  	s25 =	simm.s32 $0x1B8E;
	s24 =	sld [smem:$0x3FFE];
	[sflag:s23] =	ssyncadd.s32 $0xFFFFFFFF  }
0xa5: {  	s26 =	simm.s32 $execute0_lowered;
	[smem:$0x3FD2] =	sst s25  }
0xa6: {  	s5 =	sshll.u32 s26, $0x1;
	_ =	strace $0x80000046;
	[dreg:$0x1] =	wrdreg $0xFFFFFFFF  }
0xa7: {  	s28 =	simm.s32 $_size_execute0_lowered;
	s3 =	sadd.s32 s3, s5;
	[dreg:$0x0] =	wrdreg $0x0  }
0xa8: {  	s5 =	sshll.u32 s28, $0x1;
	[dreg:$0x2] =	wrdreg s3  }
0xa9: {  	[dreg:$0x3] =	wrdreg s5  }
0xaa: {  	[dreg:$0x4] =	wrdreg $0xC0  }
0xab: {  	_ =	task [dreg:s7], $0x5FFFF  }
0xac: {  	[dreg:$0x1] =	wrdreg $0xFFFFFFFF  }
0xad: {  	[dreg:$0x0] =	wrdreg $0x60  }
0xae: {  	[dreg:$0x2] =	wrdreg s24  }
0xaf: {  	[dreg:$0x3] =	wrdreg s2  }
0xb0: {  	[dreg:$0x4] =	wrdreg $0x0  }
0xb1: {  	[dreg:$0x5] =	wrdreg $0x9  }
0xb2: {  	_ =	task.clear_ibuf [dreg:s7], $0x6FFFF;
	_ =	strace $0x90000046  }
0xb3: {  	s29 =	simm.s32 $0x9;
	_ =	strace $0x80000048  }
0xb4: {  	_ =	swait.ge [sflag:s29], $0x1  }
0xb5: {  	[sflag:s29] =	ssyncadd.s32 $0xFFFFFFFF  }
0xb6: {  	_ =	strace $0x90000048  }
0xb7: {  	_ =	sfence  }
0xb8: {  	s30 =	sld [smem:$0x0];
	_ =	sdelay $0x2  }
0xb9: {  	s31 =	sshll.u32 s1, $0xD;
	s1 =	sshrl.u32 s1, $0x2  }
0xba: {  	s3 =	sand.u32 $0x4000, s31;
	s1 =	sadd.s32 s1, s30  }
0xbb: {  	s0 =	sor.u32 s3, s0;
	s1 =	sshll.u32 s1, $0x11  }
0xbc: {  	s0 =	sor.u32 s1, s0  }
0xbd: {  	s0 =	sadd.s32 $0x8F2B, s0  }
0xbe: {  	[sflag:s0] =	ssyncadd.remote.s32 $0x1  }
0xbf: {  	_ =	sfence.sel $0xFFFF  }
0xc0: {  	[dreg:$0x0] =	wrdreg $0xFFFFFFFF;
	(pc) =	sbr.abs _section_cstart, $3  }
0xc1: {  	[dreg:$0x1] =	wrdreg $0xFFFFFFFF  }
0xc2: {  	_ =	task.clear_ibuf [dreg:s7], $0x2FFFF;
	_ =	strace $0x9FFFFFFF  }
0xc3: {  	(tm) =	ssettm $0x7FFFFFFF  }
tec
execute0_lowered:
.L_overlay_start_1:
0x0: {  	(tag) =	ssettag $0x1  }
0x1: {  	s5 =	rddreg [dreg:$0x0]  }
0x2: {  	s11 =	rddreg [dreg:$0x1]  }
0x3: {  	s2 =	rddreg [dreg:$0x2]  }
0x4: {  	s0 =	rddreg [dreg:$0x3]  }
0x5: {  	s3 =	simm.s32 $0x0;
	s1 =	stileid.u32;
	s6 =	srdreg.scid  }
0x6: {  	s20 =	simm.s32 $0x14000;
	s21 =	simm.s32 $0x80;
	s8 =	smul.u32 $0x2800, s1  }
0x7: {  	s22 =	simm.s32 $0x19000;
	[smem:$0x7FF] =	sst s3;
	s24 =	smul.u32 $0x50000, s1  }
0x8: {  	s4 =	sadd.s32 $0x1A400, s5;
	s23 =	sand.u32 $0x1, s6;
	s26 =	smul.u32 $0x14000, s1  }
0x9: {  	s12 =	sadd.s32 $0x6400, s5;
	s31 =	sshll.u32 s1, $0x6;
	s14 =	smul.u32 $0x50000, s23  }
0xa: {  	_ =	strace $0x80000047;
	s9 =	ssub.s32 $0x2, s23;
	s25 =	smul.u32 $0x280000, s23  }
0xb: {  	p0 =	sne.s32 s23, $0x0;
	s23 =	simm.s32 $0x0;
	s13 =	sshrl.u32 s8, $0x3  }
0xc: {  	s10 =	sshrl.u32 s9, $0x1;
	s6 =	sshrl.u32 s24, $0x2;
	s29 =	sshrl.u32 s26, $0x3  }
0xd: {  	s7 =	sadd.s32 s13, s5;
	s5 =	sadd.s32 $0x92400, s5;
	s15 =	ssub.s32 s9, s10  }
0xe: {  	s17 =	sadd.s32 s6, s2;
	s14 =	sadd.s32 s8, s14;
	s16 =	sadd.s32 s26, s25  }
0xf: {  	s30 =	sadd.s32 s11, s29;
	s6 =	sadd.s32 $0x1400, s7;
	s18 =	sadd.s32 $0x4000, s17  }
0x10: {  	s19 =	sadd.s32 $0x8000, s17;
	s7 =	sadd.s32 $0xC000, s17;
	s8 =	sadd.s32 $0x10000, s17  }
.Ltmp0:
0x11: {  	s14 =	sshrl.u32 s14, $0x3;
	s28 =	sshrl.u32 s16, $0x3;
	(pc) =	sbr.rel .LBB2_1-.Ltmp0, $4  }
0x12: {  	s16 =	sor.u32 $0x1C01, s31;
	s17 =	sshrl.u32 s17, $0x3;
	s9 =	sadd.s32 s12, s14  }
0x13: {  	s10 =	sadd.s32 s11, s28;
	s12 =	sadd.s32 s12, s13;
	s13 =	smax.u32 s15, $0x1  }
0x14: {  	s14 =	simm.s32 $0x16800;
	s15 =	simm.s32 $0x1;
	s18 =	sshrl.u32 s18, $0x3  }
0x15: {  	s19 =	sshrl.u32 s19, $0x3;
	s11 =	sadd.s32 $0x5000, s12;
	s12 =	sadd.s32 $0x28000, s30  }
.LBB2_9:
0x16: {  	[bflag:$0x0] =	sbarrier.arrive $0xFFFF  }
0x17: {  	[bflag:$0x0] =	sbarrier.arrive $0xFFFF  }
.LBB2_7:
0x18: {  	s23 =	sadd.s32 $0x1, s23  }
0x19: {  	p1 =	sne.s32 s23, s13  }
.Ltmp1:
0x1a: {  	_ = 	snop;
	(pc) =	sbr.rel @!p1 .LBB2_8-.Ltmp1, $2  }
0x1b: {  	_ =	sdelay $0x1  }
0x1c: {  	[bflag:$0x0] =	sbarrier.arrive $0xFFFF;
	_ =	sdelay $0x1  }
.LBB2_1:
0x1d: {  	[tilespmem:s14], [sflag:$0x1] =	stream.linear.gather [hbm4b:s6+s3], $0x2780, $0x38;
	[tilespmem:$0x1D000] =	vst v63  }
0x1e: {  	_ =	swait.ge [sflag:s15], $0x2780  }
0x1f: {  	[sflag:s15] =	ssyncset.done $0x0  }
0x20: {  	[sflag:s15] =	ssyncadd.s32 $0xFFFFD880  }
0x21: {  	[spmem:s17], [sflag:s16] =	dma.local [hbm:s5], $0x800  }
0x22: {  	_ =	swait.ge [sflag:s15], $0x800  }
0x23: {  	[sflag:s15] =	ssyncset.done $0x0  }
0x24: {  	[sflag:s15] =	ssyncadd.s32 $0xFFFFF800  }
0x25: {  	[spmem:s18], [sflag:s16] =	dma.local [hbm:s5], $0x800  }
0x26: {  	_ =	swait.ge [sflag:s15], $0x800  }
0x27: {  	[sflag:s15] =	ssyncset.done $0x0  }
0x28: {  	[sflag:s15] =	ssyncadd.s32 $0xFFFFF800  }
0x29: {  	[spmem:s19], [sflag:s16] =	dma.local [hbm:s5], $0x800  }
0x2a: {  	_ =	swait.ge [sflag:s15], $0x800  }
0x2b: {  	[sflag:s15] =	ssyncset.done $0x0  }
0x2c: {  	s24 =	sshrl.u32 s7, $0x3;
	[sflag:s15] =	ssyncadd.s32 $0xFFFFF800  }
0x2d: {  	[spmem:s24], [sflag:s16] =	dma.local [hbm:s5], $0x800  }
0x2e: {  	_ =	swait.ge [sflag:s15], $0x800  }
0x2f: {  	[sflag:s15] =	ssyncset.done $0x0  }
0x30: {  	s25 =	sshrl.u32 s8, $0x3;
	[sflag:s15] =	ssyncadd.s32 $0xFFFFF800  }
0x31: {  	[spmem:s25], [sflag:s16] =	dma.local [hbm:s5], $0x800  }
0x32: {  	_ =	swait.ge [sflag:s15], $0x800  }
0x33: {  	[sflag:s15] =	ssyncset.done $0x0  }
0x34: {  	[sflag:s15] =	ssyncadd.s32 $0xFFFFF800  }
0x35: {  	[tilespmem:s20], [sflag:$0x1] =	stream.linear.gather [hbm4b:s9+s3], $0x2780, $0x38;
	[tilespmem:$0x1D000] =	vst v63  }
0x36: {  	_ =	swait.ge [sflag:s15], $0x2780  }
0x37: {  	[sflag:s15] =	ssyncset.done $0x0  }
0x38: {  	[sflag:s15] =	ssyncadd.s32 $0xFFFFD880  }
0x39: {  	s26 =	simm.s32 $0x14000;
	[bflag:$0x0] =	sbarrier.arrive $0xFFFF  }
0x3a: {  	[tilespmem:s22], [sflag:$0x1] =	stream.indirect.gather [hbm4b:s4+s21], $0x80, s26, s21, $0xb8;
	[tilespmem:$0x1D000] =	vst v63  }
0x3b: {  	_ =	swait.ge [sflag:s15], $0x4000  }
0x3c: {  	[sflag:s15] =	ssyncset.done $0x0  }
0x3d: {  	s31 =	simm.s32 $0x16800;
	[sflag:s15] =	ssyncadd.s32 $0xFFFFC000  }
0x3e: {  	[spmem:s2] =	stream.indirect.scatter.add.f32 [tilespmem:s22], [sflag:$0x1], $0x80, s31, s21, $0xb8;
	[tilespmem:$0x1D000] =	vst v63  }
0x3f: {  	_ =	swait.ge [sflag:s15], $0x4000  }
0x40: {  	s28 =	simm.s32 $0x400;
	s26 =	simm.s32 $0x80;
	[sflag:s15] =	ssyncset.done $0x0  }
.LBB2_2:
0x41: {  	s29 =	sadd.s32 $0x14000, s26  }
0x42: {  	[sflag:s15] =	ssyncadd.s32 $0xFFFFC000;
	s30 =	smov.u32 s28;
	s31 =	sadd.s32 $0x200, s28  }
0x43: {  	[tilespmem:s22], [sflag:$0x1] =	stream.indirect.gather [hbm4b:s4+s21], $0x80, s29, s21, $0xb8;
	[tilespmem:$0x1D000] =	vst v63  }
0x44: {  	p1 =	sne.s32 s28, $0x9C00;
	_ =	swait.ge [sflag:s15], $0x4000  }
.Ltmp2:
0x45: {  	[sflag:s15] =	ssyncset.done $0x0;
	(pc) =	sbr.rel @p1 .LBB2_2-.Ltmp2, $4  }
0x46: {  	s26 =	sadd.s32 $0x16800, s26;
	[sflag:s15] =	ssyncadd.s32 $0xFFFFC000  }
0x47: {  	[spmem:s2] =	stream.indirect.scatter.add.f32 [tilespmem:s22], [sflag:$0x1], $0x80, s26, s21, $0xb8;
	[tilespmem:$0x1D000] =	vst v63  }
0x48: {  	_ =	swait.ge [sflag:s15], $0x4000  }
0x49: {  	s28 =	smov.u32 s31;
	s26 =	sshra.s32 s30, $0x2;
	[sflag:s15] =	ssyncset.done $0x0  }
0x4a: {  	s28 =	sadd.s32 $0x14000, s26;
	[sflag:s15] =	ssyncadd.s32 $0xFFFFC000  }
0x4b: {  	[tilespmem:s22], [sflag:$0x1] =	stream.indirect.gather [hbm4b:s4+s21], $0x80, s28, s21, $0xb8;
	[tilespmem:$0x1D000] =	vst v63  }
0x4c: {  	_ =	swait.ge [sflag:s15], $0x4000  }
0x4d: {  	[sflag:s15] =	ssyncset.done $0x0  }
0x4e: {  	s31 =	sadd.s32 $0x16800, s26;
	[sflag:s15] =	ssyncadd.s32 $0xFFFFC000  }
0x4f: {  	[spmem:s2] =	stream.indirect.scatter.add.f32 [tilespmem:s22], [sflag:$0x1], $0x80, s31, s21, $0xb8;
	[tilespmem:$0x1D000] =	vst v63  }
0x50: {  	_ =	swait.ge [sflag:s15], $0x4000  }
0x51: {  	[sflag:s15] =	ssyncset.done $0x0  }
0x52: {  	[sflag:s15] =	ssyncadd.s32 $0xFFFFC000  }
0x53: {  	[bflag:$0x0] =	sbarrier.arrive $0xFFFF  }
0x54: {  	[hbm:s10], [sflag:s16] =	dma.local [spmem:s17], $0x2800  }
.Ltmp3:
0x55: {  	_ =	swait.ge [sflag:s15], $0x2800;
	(pc) =	sbr.rel @p0 .LBB2_9-.Ltmp3, $3  }
0x56: {  	[sflag:s15] =	ssyncset.done $0x0  }
0x57: {  	[sflag:s15] =	ssyncadd.s32 $0xFFFFD800  }
0x58: {  	[bflag:$0x0] =	sbarrier.arrive $0xFFFF;
	_ =	sdelay $0x1  }
0x59: {  	[spmem:s17], [sflag:s16] =	dma.local [hbm:s5], $0x800  }
0x5a: {  	_ =	swait.ge [sflag:s15], $0x800  }
0x5b: {  	[sflag:s15] =	ssyncset.done $0x0  }
0x5c: {  	[sflag:s15] =	ssyncadd.s32 $0xFFFFF800  }
0x5d: {  	[spmem:s18], [sflag:s16] =	dma.local [hbm:s5], $0x800  }
0x5e: {  	_ =	swait.ge [sflag:s15], $0x800  }
0x5f: {  	[sflag:s15] =	ssyncset.done $0x0  }
0x60: {  	[sflag:s15] =	ssyncadd.s32 $0xFFFFF800  }
0x61: {  	[spmem:s19], [sflag:s16] =	dma.local [hbm:s5], $0x800  }
0x62: {  	_ =	swait.ge [sflag:s15], $0x800  }
0x63: {  	[sflag:s15] =	ssyncset.done $0x0  }
0x64: {  	[sflag:s15] =	ssyncadd.s32 $0xFFFFF800  }
0x65: {  	[spmem:s24], [sflag:s16] =	dma.local [hbm:s5], $0x800  }
0x66: {  	_ =	swait.ge [sflag:s15], $0x800  }
0x67: {  	[sflag:s15] =	ssyncset.done $0x0  }
0x68: {  	[sflag:s15] =	ssyncadd.s32 $0xFFFFF800  }
0x69: {  	[spmem:s25], [sflag:s16] =	dma.local [hbm:s5], $0x800  }
0x6a: {  	_ =	swait.ge [sflag:s15], $0x800  }
0x6b: {  	[sflag:s15] =	ssyncset.done $0x0  }
0x6c: {  	s29 =	simm.s32 $0x0;
	[sflag:s15] =	ssyncadd.s32 $0xFFFFF800  }
0x6d: {  	[tilespmem:s20], [sflag:$0x1] =	stream.linear.gather [hbm4b:s11+s29], $0x2780, $0x38;
	[tilespmem:$0x1D000] =	vst v63  }
0x6e: {  	_ =	swait.ge [sflag:s15], $0x2780  }
0x6f: {  	[sflag:s15] =	ssyncset.done $0x0  }
0x70: {  	[sflag:s15] =	ssyncadd.s32 $0xFFFFD880  }
0x71: {  	s30 =	simm.s32 $0x14000;
	[bflag:$0x0] =	sbarrier.arrive $0xFFFF  }
0x72: {  	[tilespmem:s22], [sflag:$0x1] =	stream.indirect.gather [hbm4b:s4+s21], $0x80, s30, s21, $0xb8;
	[tilespmem:$0x1D000] =	vst v63  }
0x73: {  	_ =	swait.ge [sflag:s15], $0x4000  }
0x74: {  	[sflag:s15] =	ssyncset.done $0x0  }
0x75: {  	s31 =	simm.s32 $0x16800;
	[sflag:s15] =	ssyncadd.s32 $0xFFFFC000  }
0x76: {  	[spmem:s2] =	stream.indirect.scatter.add.f32 [tilespmem:s22], [sflag:$0x1], $0x80, s31, s21, $0xb8;
	[tilespmem:$0x1D000] =	vst v63  }
0x77: {  	_ =	swait.ge [sflag:s15], $0x4000  }
0x78: {  	s24 =	simm.s32 $0x80;
	s25 =	simm.s32 $0x400;
	[sflag:s15] =	ssyncset.done $0x0  }
.LBB2_5:
0x79: {  	s26 =	sadd.s32 $0x14000, s24  }
0x7a: {  	[sflag:s15] =	ssyncadd.s32 $0xFFFFC000;
	s28 =	smov.u32 s25;
	s29 =	sadd.s32 $0x200, s25  }
0x7b: {  	[tilespmem:s22], [sflag:$0x1] =	stream.indirect.gather [hbm4b:s4+s21], $0x80, s26, s21, $0xb8;
	[tilespmem:$0x1D000] =	vst v63  }
0x7c: {  	p1 =	seq.s32 s25, $0x9C00;
	_ =	swait.ge [sflag:s15], $0x4000  }
.Ltmp4:
0x7d: {  	[sflag:s15] =	ssyncset.done $0x0;
	(pc) =	sbr.rel @!p1 .LBB2_5-.Ltmp4, $4  }
0x7e: {  	s24 =	sadd.s32 $0x16800, s24;
	[sflag:s15] =	ssyncadd.s32 $0xFFFFC000  }
0x7f: {  	[spmem:s2] =	stream.indirect.scatter.add.f32 [tilespmem:s22], [sflag:$0x1], $0x80, s24, s21, $0xb8;
	[tilespmem:$0x1D000] =	vst v63  }
0x80: {  	_ =	swait.ge [sflag:s15], $0x4000  }
0x81: {  	s25 =	smov.u32 s29;
	s24 =	sshra.s32 s28, $0x2;
	[sflag:s15] =	ssyncset.done $0x0  }
0x82: {  	s25 =	sadd.s32 $0x14000, s24;
	[sflag:s15] =	ssyncadd.s32 $0xFFFFC000  }
0x83: {  	[tilespmem:s22], [sflag:$0x1] =	stream.indirect.gather [hbm4b:s4+s21], $0x80, s25, s21, $0xb8;
	[tilespmem:$0x1D000] =	vst v63  }
0x84: {  	_ =	swait.ge [sflag:s15], $0x4000  }
0x85: {  	[sflag:s15] =	ssyncset.done $0x0  }
0x86: {  	s31 =	sadd.s32 $0x16800, s24;
	[sflag:s15] =	ssyncadd.s32 $0xFFFFC000  }
0x87: {  	[spmem:s2] =	stream.indirect.scatter.add.f32 [tilespmem:s22], [sflag:$0x1], $0x80, s31, s21, $0xb8;
	[tilespmem:$0x1D000] =	vst v63  }
0x88: {  	_ =	swait.ge [sflag:s15], $0x4000  }
0x89: {  	[sflag:s15] =	ssyncset.done $0x0  }
0x8a: {  	[sflag:s15] =	ssyncadd.s32 $0xFFFFC000  }
.Ltmp5:
0x8b: {  	[bflag:$0x0] =	sbarrier.arrive $0xFFFF;
	(pc) =	sbr.rel .LBB2_7-.Ltmp5, $4  }
0x8c: {  	[hbm:s12], [sflag:s16] =	dma.local [spmem:s17], $0x2800  }
0x8d: {  	_ =	swait.ge [sflag:s15], $0x2800  }
0x8e: {  	[sflag:s15] =	ssyncset.done $0x0  }
0x8f: {  	[sflag:s15] =	ssyncadd.s32 $0xFFFFD800  }
.LBB2_8:
0x90: {  	_ =	sfence.sel $0x180000  }
0x91: {  	[bflag:$0x0] =	sbarrier.arrive $0xFFFF  }
0x92: {  	p0 =	sne.s32 s1, $0x0;
	_ =	strace $0x90000047  }
0x93: {  	s0 =	sadd.s32 @!p0 $0x100000, s0;
	[bflag:$0x2] =	sbarrier.arrive $0xFFFF  }
0x94: {  	[sflag:s0] =	ssyncadd.tile.s32 @!p0 $0x1;
	_ =	shalt  }
.Lfunc_end2:
_tile_overlayer_lowered:
.L_overlay_start_2:
0x95: {  	(tag) =	ssettag $0x2  }
0x96: {  	s0 =	rddreg [dreg:$0x0];
	s2 =	stileid.u32  }
0x97: {  	s1 =	rddreg [dreg:$0x1];
	p0 =	sne.s32 s2, $0x0  }
0x98: {  	s3 =	rddreg [dreg:$0x2];
	[bflag:$0x3] =	sbarrier.arrive $0xFFFF;
	s2 =	simm.s32 @!p0 $0x1C01  }
0x99: {  	[timem:s3], [sflag:s2] =	dma.local @!p0 [hbm:s0], s1  }
0x9a: {  	s0 =	simm.s32 @!p0 $0x1  }
0x9b: {  	_ =	swait.ge @!p0 [sflag:s0], s1  }
0x9c: {  	s1 =	ssub.s32 @!p0 $0x0, s1;
	[sflag:s0] =	ssyncset.done @!p0 $0x0  }
0x9d: {  	[sflag:s0] =	ssyncadd.s32 @!p0 s1  }
0x9e: {  	[bflag:$0x3] =	sbarrier.arrive $0xFFFF  }
0x9f: {  	_ =	shalt  }

// kernel: kernel.9.cloned.1.call-start
scs
__scs_entry_jumppad:
0x0: {  	(pc) =	sbr.rel $0x88, $3  }
0x1: {  	(tag) =	ssettag $0x0;
	lr =	simm.s32 $0x1  }
0x2: {  	[smem:$0x3F97] =	sst lr;
	_ =	strace $0xD0000000  }
0x3: {  	_ = 	snop  }
0x4: {  	_ = 	snop  }
0x5: {  	_ = 	snop  }
0x6: {  	_ = 	snop  }
0x7: {  	_ = 	snop  }
__scs_overlays_trampoline_lowered:
0x8: {  	[smem:$0x3FA6] =	sst s0  }
0x9: {  	[smem:$0x3FA7] =	sst s1  }
0xa: {  	[smem:$0x3FA8] =	sst s2  }
0xb: {  	[smem:$0x3FA9] =	sst s3  }
0xc: {  	[smem:$0x3FAA] =	sst s4  }
0xd: {  	[smem:$0x3FAB] =	sst s5  }
0xe: {  	[smem:$0x3FAC] =	sst s6  }
0xf: {  	[smem:$0x3FAD] =	sst s7  }
0x10: {  	[smem:$0x3FAE] =	sst s8  }
0x11: {  	[smem:$0x3FAF] =	sst s9;
	s0 =	simm.s32 @!p0 $0x0  }
0x12: {  	s1 =	sld [smem:$0x3F95];
	s0 =	simm.s32 @p0 $0x1  }
0x13: {  	[smem:$0x3FB0] =	sst s0;
	s0 =	simm.s32 @!p1 $0x0  }
0x14: {  	s2 =	sld [smem:$0x3F94];
	s0 =	simm.s32 @p1 $0x1  }
0x15: {  	[smem:$0x3FB1] =	sst s0;
	s0 =	simm.s32 @!p2 $0x0  }
0x16: {  	s3 =	sld [smem:$0x3FDB];
	s0 =	simm.s32 @p2 $0x1  }
0x17: {  	s4 =	simm.s32 $0x1BF5;
	[smem:$0x3FB3] =	sst s0  }
0x18: {  	s0 =	sld [smem:$0x3F96];
	_ =	swait.ge [sflag:s4], $0x0  }
0x19: {  	s7 =	sld [smem:$0x3F97]  }
0x1a: {  	s8 =	sadd.s32 $0xFFFFE003, lr  }
0x1b: {  	s9 =	sadd.s32 $0xFFFFFEF7, lr;
	s5 =	simm.s32 $0xFFFFFFFF;
	p2 =	slt.u32 s8, $0xFFFFF086  }
0x1c: {  	p1 =	slt.u32 s9, $0xF7A;
	s5 =	simm.s32 @!p2 $0x0  }
0x1d: {  	s5 =	simm.s32 @p1 $0x1;
	p0 =	seq.s32 s7, s2  }
0x1e: {  	s7 =	smul.u32 @!p0 $0xF7A, s2;
	p2 =	seq.s32 @!p0 s5, $0x0  }
0x1f: {  	s9 =	smul.u32 $0xF7A, s1;
	s8 =	simm.s32 @!p0 $0x1BF5;
	p2 =	por !p2, p0  }
0x20: {  	[sflag:s8] =	ssyncset.s32 @!p0 $0xFFFFF086;
	s6 =	sadd.s32 @!p0 s3, s7;
	s7 =	simm.s32 @!p0 $0x108  }
0x21: {  	s3 =	sadd.s32 s3, s9;
	s6 =	sadd.s32 @!p0 $0x88, s6;
	s7 =	simm.s32 @p2 $0x1082  }
0x22: {  	[simem:s7], [sflag:s8] =	dma.local @!p0 [hbm:s6], $0xF7A  }
0x23: {  	s9 =	sor.u32 $0xD0000000, s2;
	s6 =	simm.s32 $0x108;
	_ =	swait.ge @!p0 [sflag:s8], $0x0  }
0x24: {  	s3 =	sadd.s32 $0x88, s3;
	s6 =	simm.s32 @!p1 $0x1082;
	[sflag:s4] =	ssyncset.s32 $0xFFFFF086  }
0x25: {  	[simem:s6], [sflag:s4] =	dma.local [hbm:s3], $0xF7A  }
0x26: {  	[smem:$0x3F97] =	sst s1;
	(tag) =	ssettag s2;
	_ =	strace s9  }
0x27: {  	s1 =	sld [smem:$0x3FA7]  }
0x28: {  	s2 =	sld [smem:$0x3FA8]  }
0x29: {  	s4 =	sld [smem:$0x3FAA]  }
0x2a: {  	p0 =	seq.s32 s5, $0x0;
	s5 =	sld [smem:$0x3FAB]  }
0x2b: {  	s6 =	sld [smem:$0x3FAC]  }
0x2c: {  	s7 =	sld [smem:$0x3FAD]  }
0x2d: {  	s3 =	simm.s32 $0x108;
	s8 =	sld [smem:$0x3FAE]  }
0x2e: {  	s3 =	simm.s32 @!p0 $0x1082;
	s9 =	sld [smem:$0x3FAF]  }
0x2f: {  	lr =	sadd.s32 s0, s3;
	s0 =	sld [smem:$0x3FA6]  }
0x30: {  	s3 =	sld [smem:$0x3FA9]  }
0x31: {  	[smem:$0x3FB2] =	sst s10  }
0x32: {  	s10 =	sld [smem:$0x3FB0];
	_ =	sdelay $0x3  }
0x33: {  	p0 =	seq.s32 s10, $0x1;
	s10 =	sld [smem:$0x3FB2];
	_ =	sdelay $0x3  }
0x34: {  	[smem:$0x3FB2] =	sst s10  }
0x35: {  	s10 =	sld [smem:$0x3FB1];
	_ =	sdelay $0x3  }
0x36: {  	p1 =	seq.s32 s10, $0x1;
	s10 =	sld [smem:$0x3FB2];
	_ =	sdelay $0x3  }
0x37: {  	[smem:$0x3FB2] =	sst s10  }
0x38: {  	s10 =	sld [smem:$0x3FB3]  }
0x39: {  	_ = 	snop;
	(pc) =	sbr.ind lr, $3  }
0x3a: {  	_ = 	snop  }
0x3b: {  	_ = 	snop  }
0x3c: {  	p2 =	seq.s32 s10, $0x1;
	s10 =	sld [smem:$0x3FB2]  }
0x3d: {  	_ =	shalt  }
0x3e: {  	_ =	shalt  }
0x3f: {  	_ =	shalt  }
0x40: {  	_ =	shalt  }
0x41: {  	_ =	shalt  }
0x42: {  	_ =	shalt  }
0x43: {  	_ =	shalt  }
0x44: {  	_ =	shalt  }
0x45: {  	_ =	shalt  }
0x46: {  	_ =	shalt  }
0x47: {  	_ =	shalt  }
0x48: {  	_ =	shalt  }
0x49: {  	_ =	shalt  }
0x4a: {  	_ =	shalt  }
0x4b: {  	_ =	shalt  }
0x4c: {  	_ =	shalt  }
0x4d: {  	_ =	shalt  }
0x4e: {  	_ =	shalt  }
0x4f: {  	_ =	shalt  }
0x50: {  	_ =	shalt  }
0x51: {  	_ =	shalt  }
0x52: {  	_ =	shalt  }
0x53: {  	_ =	shalt  }
0x54: {  	_ =	shalt  }
0x55: {  	_ =	shalt  }
0x56: {  	_ =	shalt  }
0x57: {  	_ =	shalt  }
0x58: {  	_ =	shalt  }
0x59: {  	_ =	shalt  }
0x5a: {  	_ =	shalt  }
0x5b: {  	_ =	shalt  }
0x5c: {  	_ =	shalt  }
0x5d: {  	_ =	shalt  }
0x5e: {  	_ =	shalt  }
0x5f: {  	_ =	shalt  }
0x60: {  	_ =	shalt  }
0x61: {  	_ =	shalt  }
0x62: {  	_ =	shalt  }
0x63: {  	_ =	shalt  }
0x64: {  	_ =	shalt  }
0x65: {  	_ =	shalt  }
0x66: {  	_ =	shalt  }
0x67: {  	_ =	shalt  }
0x68: {  	_ =	shalt  }
0x69: {  	_ =	shalt  }
0x6a: {  	_ =	shalt  }
0x6b: {  	_ =	shalt  }
0x6c: {  	_ =	shalt  }
0x6d: {  	_ =	shalt  }
0x6e: {  	_ =	shalt  }
0x6f: {  	_ =	shalt  }
0x70: {  	_ =	shalt  }
0x71: {  	_ =	shalt  }
0x72: {  	_ =	shalt  }
0x73: {  	_ =	shalt  }
0x74: {  	_ =	shalt  }
0x75: {  	_ =	shalt  }
0x76: {  	_ =	shalt  }
0x77: {  	_ =	shalt  }
0x78: {  	_ =	shalt  }
0x79: {  	_ =	shalt  }
0x7a: {  	_ =	shalt  }
0x7b: {  	_ =	shalt  }
0x7c: {  	_ =	shalt  }
0x7d: {  	_ =	shalt  }
0x7e: {  	_ =	shalt  }
0x7f: {  	_ =	shalt  }
0x80: {  	_ =	shalt  }
0x81: {  	_ =	shalt  }
0x82: {  	_ =	shalt  }
0x83: {  	_ =	shalt  }
0x84: {  	_ =	shalt  }
0x85: {  	_ =	shalt  }
0x86: {  	_ =	shalt  }
0x87: {  	_ =	shalt  }
.Lfunc_end0:
.L_simem_size_0:
called_computation.1_lowered:
.L_overlay_start_0:
0x88: {  	s2 =	sld [smem:$0x3FD9]  }
0x89: {  	s3 =	sld [smem:$0x3FFE];
	_ =	sdelay $0x1  }
0x8a: {  	s1 =	srdreg.scid  }
0x8b: {  	s0 =	sand.u32 $0x1, s1  }
0x8c: {  	s16 =	sshll.u32 s0, $0xA;
	s2 =	sadd.s32 s3, s2  }
0x8d: {  	s2 =	sadd.s32 s2, s16  }
0x8e: {  	[smem:$0x3FBE] =	sst s2  }
0x8f: {  	_ = 	snop  }
0x90: {  	(tm) =	ssettm $0x1  }
0x91: {  	s17 =	sld [smem:$0x3FFB];
	_ =	sdelay $0x3  }
0x92: {  	_ =	strace s17  }
0x93: {  	s2 =	sld [smem:$0x3FFC];
	_ =	sdelay $0x3  }
0x94: {  	_ =	strace s2  }
0x95: {  	s2 =	sld [smem:$0x3FFD];
	_ =	sdelay $0x3  }
0x96: {  	_ =	strace s2  }
0x97: {  	_ =	strace $0x8FFFFFFF  }
0x98: {  	s18 =	sld [smem:$0x3FDB];
	_ =	sdelay $0x1  }
0x99: {  	s19 =	simm.s32 $_scs_section_size  }
0x9a: {  	s4 =	simm.s32 $_size__tile_overlayer_lowered;
	s5 =	simm.s32 $_tile_overlayer_lowered  }
0x9b: {  	s22 =	simm.s32 $0x1BFF;
	s21 =	sshll.u32 s5, $0x1;
	s2 =	sadd.s32 s19, s18  }
0x9c: {  	s6 =	simm.s32 $0x0;
	s20 =	sshll.u32 s4, $0x1;
	s4 =	sadd.s32 s21, s2  }
0x9d: {  	[timem:s6], [sflag:s22] =	dma.local [hbm:s4], s20  }
0x9e: {  	_ =	swait.ge [sflag:s22], s20  }
0x9f: {  	s3 =	ssub.s32 $0x0, s20;
	[sflag:s22] =	ssyncset.done $0x0  }
0xa0: {  	[sflag:s22] =	ssyncadd.s32 s3;
	_ =	sdelay $0x1  }
0xa1: {  	s23 =	simm.s32 $0x1B8B  }
0xa2: {  	_ =	swait.ge [sflag:s23], $0x1  }
0xa3: {  	[sflag:s23] =	ssyncset.done $0x0  }
0xa4: {  	s25 =	simm.s32 $0x1B8E;
	s24 =	sld [smem:$0x3FFE];
	[sflag:s23] =	ssyncadd.s32 $0xFFFFFFFF  }
0xa5: {  	s26 =	simm.s32 $execute0_lowered;
	[smem:$0x3FD2] =	sst s25  }
0xa6: {  	s4 =	sshll.u32 s26, $0x1;
	_ =	strace $0x80000049;
	[dreg:$0x1] =	wrdreg $0xFFFFFFFF  }
0xa7: {  	s28 =	simm.s32 $_size_execute0_lowered;
	s2 =	sadd.s32 s2, s4;
	[dreg:$0x0] =	wrdreg $0x0  }
0xa8: {  	s4 =	sshll.u32 s28, $0x1;
	[dreg:$0x2] =	wrdreg s2  }
0xa9: {  	[dreg:$0x3] =	wrdreg s4  }
0xaa: {  	[dreg:$0x4] =	wrdreg $0xC0  }
0xab: {  	_ =	task [dreg:s6], $0x5FFFF  }
0xac: {  	[dreg:$0x1] =	wrdreg $0xFFFFFFFF  }
0xad: {  	[dreg:$0x0] =	wrdreg $0x60  }
0xae: {  	[dreg:$0x2] =	wrdreg s24  }
0xaf: {  	[dreg:$0x3] =	wrdreg $0x0  }
0xb0: {  	[dreg:$0x4] =	wrdreg $0x9  }
0xb1: {  	_ =	task.clear_ibuf [dreg:s6], $0x5FFFF;
	_ =	strace $0x90000049  }
0xb2: {  	s29 =	simm.s32 $0x9;
	_ =	strace $0x8000004B  }
0xb3: {  	_ =	swait.ge [sflag:s29], $0x1  }
0xb4: {  	[sflag:s29] =	ssyncadd.s32 $0xFFFFFFFF  }
0xb5: {  	_ =	strace $0x9000004B  }
0xb6: {  	_ =	sfence  }
0xb7: {  	s30 =	sld [smem:$0x0];
	_ =	sdelay $0x2  }
0xb8: {  	s31 =	sshll.u32 s1, $0xD;
	s1 =	sshrl.u32 s1, $0x2  }
0xb9: {  	s3 =	sand.u32 $0x4000, s31;
	s1 =	sadd.s32 s1, s30  }
0xba: {  	s0 =	sor.u32 s3, s0;
	s1 =	sshll.u32 s1, $0x11  }
0xbb: {  	s0 =	sor.u32 s1, s0  }
0xbc: {  	s0 =	sadd.s32 $0x8F2B, s0  }
0xbd: {  	[sflag:s0] =	ssyncadd.remote.s32 $0x1  }
0xbe: {  	_ =	sfence.sel $0xFFFF  }
0xbf: {  	[dreg:$0x0] =	wrdreg $0xFFFFFFFF;
	(pc) =	sbr.abs _section_cstart, $3  }
0xc0: {  	[dreg:$0x1] =	wrdreg $0xFFFFFFFF  }
0xc1: {  	_ =	task.clear_ibuf [dreg:s6], $0x2FFFF;
	_ =	strace $0x9FFFFFFF  }
0xc2: {  	(tm) =	ssettm $0x7FFFFFFF  }
0xc3: {  	_ =	shalt  }
tec
execute0_lowered:
.L_overlay_start_1:
0x0: {  	(tag) =	ssettag $0x1  }
0x1: {  	s0 =	rddreg [dreg:$0x0]  }
0x2: {  	s2 =	rddreg [dreg:$0x1];
	s1 =	simm.s32 $0x0;
	s10 =	stileid.u32  }
0x3: {  	[smem:$0x7FF] =	sst s1;
	s1 =	smul.u32 $0x2800, s10  }
0x4: {  	s3 =	srdreg.scid;
	s4 =	sadd.s32 $0xBAC00, s0;
	s9 =	smul.u32 $0x50000, s10  }
0x5: {  	s3 =	sand.u32 $0x1, s3;
	s18 =	sadd.s32 $0x92C00, s0;
	s17 =	smul.u32 $0x14000, s10  }
0x6: {  	_ =	strace $0x8000004A;
	s6 =	ssub.s32 $0x2, s3;
	s11 =	smul.u32 $0xA0000, s3  }
0x7: {  	s13 =	sshll.u32 s3, $0x2;
	s12 =	smul.u32 $0x500000, s3;
	s3 =	sshllo.u32 s3, $0x2  }
0x8: {  	s5 =	sshrl.u32 s1, $0x3;
	s8 =	sshrl.u32 s6, $0x1;
	s31 =	smul.u32 $0x28000, s3  }
0x9: {  	s21 =	sshrl.u32 s9, $0x2;
	s14 =	sor.u32 $0x1, s13;
	s3 =	smul.u32 $0x140000, s3  }
0xa: {  	s7 =	sadd.s32 s5, s0;
	s5 =	sadd.s32 $0x92400, s0;
	s0 =	sadd.s32 $0x33AC00, s0  }
0xb: {  	s20 =	ssub.s32 s6, s8;
	s11 =	sadd.s32 s1, s11;
	s16 =	sadd.s32 s17, s12  }
0xc: {  	s26 =	smul.u32 $0x140000, s14;
	s19 =	sadd.s32 $0x1400, s7;
	s7 =	sadd.s32 s21, s2  }
0xd: {  	s15 =	sshrl.u32 s11, $0x3;
	s24 =	sshrl.u32 s16, $0x3;
	s21 =	sor.u32 $0x2, s13  }
0xe: {  	s3 =	sadd.s32 s17, s3;
	s20 =	smax.u32 s20, $0x1;
	[dreg:$0x3] =	wrdreg s19  }
0xf: {  	s22 =	sadd.s32 $0x4000, s7;
	s23 =	sadd.s32 $0x8000, s7;
	s19 =	smul.u32 $0x28000, s14  }
0x10: {  	s10 =	sadd.s32 $0xC000, s7;
	s11 =	sadd.s32 $0x10000, s7;
	s29 =	smul.u32 $0x28000, s21  }
0x11: {  	s12 =	sadd.s32 s18, s15;
	s13 =	sadd.s32 s0, s24;
	s21 =	smul.u32 $0x140000, s21  }
0x12: {  	s30 =	sadd.s32 s17, s26;
	s3 =	sshrl.u32 s3, $0x3;
	[dreg:$0x4] =	wrdreg s22  }
0x13: {  	s24 =	simm.s32 $0x80;
	s26 =	simm.s32 $0x0;
	[dreg:$0x5] =	wrdreg s23  }
0x14: {  	s16 =	sshrl.u32 s30, $0x3;
	s23 =	simm.s32 $0x14000;
	s25 =	sadd.s32 s1, s19  }
0x15: {  	s15 =	sadd.s32 s1, s29;
	s21 =	sadd.s32 s17, s21;
	s1 =	sadd.s32 s1, s31  }
0x16: {  	s19 =	sadd.s32 s0, s3;
	s28 =	sshrl.u32 s25, $0x3;
	s22 =	sshrl.u32 s15, $0x3  }
0x17: {  	s15 =	sadd.s32 s0, s16;
	s21 =	sshrl.u32 s21, $0x3;
	s1 =	sshrl.u32 s1, $0x3  }
0x18: {  	s25 =	simm.s32 $0x19000;
	s14 =	sadd.s32 s18, s28;
	s16 =	sadd.s32 s18, s22  }
0x19: {  	s17 =	sadd.s32 s0, s21;
	s18 =	sadd.s32 s18, s1;
	s22 =	simm.s32 $0x1  }
.LBB2_1:
0x1a: {  	s3 =	simm.s32 $0x0;
	s0 =	rddreg [dreg:$0x3];
	s1 =	simm.s32 $0x16800  }
0x1b: {  	[tilespmem:s1], [sflag:$0x1] =	stream.linear.gather [hbm4b:s0+s3], $0x2780, $0x38;
	[tilespmem:$0x1D000] =	vst v63  }
0x1c: {  	s1 =	stileid.u32;
	_ =	swait.ge [sflag:s22], $0x2780  }
0x1d: {  	s0 =	sshll.u32 s1, $0x6;
	[sflag:s22] =	ssyncset.done $0x0  }
0x1e: {  	s29 =	sshrl.u32 s7, $0x3;
	s28 =	sor.u32 $0x1C01, s0;
	[sflag:s22] =	ssyncadd.s32 $0xFFFFD880  }
0x1f: {  	[spmem:s29], [sflag:s28] =	dma.local [hbm:s5], $0x800  }
0x20: {  	_ =	swait.ge [sflag:s22], $0x800  }
0x21: {  	[sflag:s22] =	ssyncset.done $0x0;
	s6 =	rddreg [dreg:$0x4]  }
0x22: {  	[sflag:s22] =	ssyncadd.s32 $0xFFFFF800;
	s30 =	sshrl.u32 s6, $0x3  }
0x23: {  	[spmem:s30], [sflag:s28] =	dma.local [hbm:s5], $0x800  }
0x24: {  	_ =	swait.ge [sflag:s22], $0x800  }
0x25: {  	[sflag:s22] =	ssyncset.done $0x0;
	s8 =	rddreg [dreg:$0x5]  }
0x26: {  	[sflag:s22] =	ssyncadd.s32 $0xFFFFF800;
	s31 =	sshrl.u32 s8, $0x3  }
0x27: {  	[spmem:s31], [sflag:s28] =	dma.local [hbm:s5], $0x800  }
0x28: {  	_ =	swait.ge [sflag:s22], $0x800  }
0x29: {  	[sflag:s22] =	ssyncset.done $0x0  }
0x2a: {  	s0 =	sshrl.u32 s10, $0x3;
	[sflag:s22] =	ssyncadd.s32 $0xFFFFF800  }
0x2b: {  	[spmem:s0], [sflag:s28] =	dma.local [hbm:s5], $0x800  }
0x2c: {  	_ =	swait.ge [sflag:s22], $0x800  }
0x2d: {  	[sflag:s22] =	ssyncset.done $0x0  }
0x2e: {  	s1 =	sshrl.u32 s11, $0x3;
	[sflag:s22] =	ssyncadd.s32 $0xFFFFF800  }
0x2f: {  	[spmem:s1], [sflag:s28] =	dma.local [hbm:s5], $0x800  }
0x30: {  	_ =	swait.ge [sflag:s22], $0x800  }
0x31: {  	[sflag:s22] =	ssyncset.done $0x0  }
0x32: {  	[sflag:s22] =	ssyncadd.s32 $0xFFFFF800  }
0x33: {  	[tilespmem:s23], [sflag:$0x1] =	stream.linear.gather [hbm4b:s12+s3], $0x2780, $0x38;
	[tilespmem:$0x1D000] =	vst v63  }
0x34: {  	_ =	swait.ge [sflag:s22], $0x2780  }
0x35: {  	[sflag:s22] =	ssyncset.done $0x0  }
0x36: {  	[sflag:s22] =	ssyncadd.s32 $0xFFFFD880  }
0x37: {  	s9 =	simm.s32 $0x14000;
	[bflag:$0x0] =	sbarrier.arrive $0xFFFF  }
0x38: {  	[tilespmem:s25], [sflag:$0x1] =	stream.indirect.gather [hbm4b:s4+s24], $0x80, s9, s24, $0xb8;
	[tilespmem:$0x1D000] =	vst v63  }
0x39: {  	_ =	swait.ge [sflag:s22], $0x4000  }
0x3a: {  	[sflag:s22] =	ssyncset.done $0x0  }
0x3b: {  	s21 =	simm.s32 $0x16800;
	[sflag:s22] =	ssyncadd.s32 $0xFFFFC000  }
0x3c: {  	[spmem:s2] =	stream.indirect.scatter.add.f32 [tilespmem:s25], [sflag:$0x1], $0x80, s21, s24, $0xb8;
	[tilespmem:$0x1D000] =	vst v63  }
0x3d: {  	_ =	swait.ge [sflag:s22], $0x4000  }
0x3e: {  	s3 =	simm.s32 $0x400;
	s21 =	simm.s32 $0x80;
	[sflag:s22] =	ssyncset.done $0x0  }
.LBB2_2:
0x3f: {  	s6 =	sadd.s32 $0x14000, s21  }
0x40: {  	[sflag:s22] =	ssyncadd.s32 $0xFFFFC000;
	s8 =	smov.u32 s3;
	s9 =	sadd.s32 $0x200, s3  }
0x41: {  	[tilespmem:s25], [sflag:$0x1] =	stream.indirect.gather [hbm4b:s4+s24], $0x80, s6, s24, $0xb8;
	[tilespmem:$0x1D000] =	vst v63  }
0x42: {  	p0 =	sne.s32 s3, $0x9C00;
	_ =	swait.ge [sflag:s22], $0x4000  }
.Ltmp0:
0x43: {  	[sflag:s22] =	ssyncset.done $0x0;
	(pc) =	sbr.rel @p0 .LBB2_2-.Ltmp0, $4  }
0x44: {  	s3 =	sadd.s32 $0x16800, s21;
	[sflag:s22] =	ssyncadd.s32 $0xFFFFC000  }
0x45: {  	[spmem:s2] =	stream.indirect.scatter.add.f32 [tilespmem:s25], [sflag:$0x1], $0x80, s3, s24, $0xb8;
	[tilespmem:$0x1D000] =	vst v63  }
0x46: {  	_ =	swait.ge [sflag:s22], $0x4000  }
0x47: {  	s21 =	sshra.s32 s8, $0x2;
	s3 =	smov.u32 s9;
	[sflag:s22] =	ssyncset.done $0x0  }
0x48: {  	s3 =	sadd.s32 $0x14000, s21;
	[sflag:s22] =	ssyncadd.s32 $0xFFFFC000  }
0x49: {  	[tilespmem:s25], [sflag:$0x1] =	stream.indirect.gather [hbm4b:s4+s24], $0x80, s3, s24, $0xb8;
	[tilespmem:$0x1D000] =	vst v63  }
0x4a: {  	_ =	swait.ge [sflag:s22], $0x4000  }
0x4b: {  	[sflag:s22] =	ssyncset.done $0x0  }
0x4c: {  	s6 =	sadd.s32 $0x16800, s21;
	[sflag:s22] =	ssyncadd.s32 $0xFFFFC000  }
0x4d: {  	[spmem:s2] =	stream.indirect.scatter.add.f32 [tilespmem:s25], [sflag:$0x1], $0x80, s6, s24, $0xb8;
	[tilespmem:$0x1D000] =	vst v63  }
0x4e: {  	_ =	swait.ge [sflag:s22], $0x4000  }
0x4f: {  	[sflag:s22] =	ssyncset.done $0x0  }
0x50: {  	[sflag:s22] =	ssyncadd.s32 $0xFFFFC000  }
0x51: {  	[bflag:$0x0] =	sbarrier.arrive $0xFFFF  }
0x52: {  	[hbm:s13], [sflag:s28] =	dma.local [spmem:s29], $0x2800  }
0x53: {  	_ =	swait.ge [sflag:s22], $0x2800  }
0x54: {  	[sflag:s22] =	ssyncset.done $0x0  }
0x55: {  	[sflag:s22] =	ssyncadd.s32 $0xFFFFD800  }
0x56: {  	[bflag:$0x0] =	sbarrier.arrive $0xFFFF  }
0x57: {  	[spmem:s29], [sflag:s28] =	dma.local [hbm:s5], $0x800  }
0x58: {  	_ =	swait.ge [sflag:s22], $0x800  }
0x59: {  	[sflag:s22] =	ssyncset.done $0x0  }
0x5a: {  	[sflag:s22] =	ssyncadd.s32 $0xFFFFF800  }
0x5b: {  	[spmem:s30], [sflag:s28] =	dma.local [hbm:s5], $0x800  }
0x5c: {  	_ =	swait.ge [sflag:s22], $0x800  }
0x5d: {  	[sflag:s22] =	ssyncset.done $0x0  }
0x5e: {  	[sflag:s22] =	ssyncadd.s32 $0xFFFFF800  }
0x5f: {  	[spmem:s31], [sflag:s28] =	dma.local [hbm:s5], $0x800  }
0x60: {  	_ =	swait.ge [sflag:s22], $0x800  }
0x61: {  	[sflag:s22] =	ssyncset.done $0x0  }
0x62: {  	[sflag:s22] =	ssyncadd.s32 $0xFFFFF800  }
0x63: {  	[spmem:s0], [sflag:s28] =	dma.local [hbm:s5], $0x800  }
0x64: {  	_ =	swait.ge [sflag:s22], $0x800  }
0x65: {  	[sflag:s22] =	ssyncset.done $0x0  }
0x66: {  	[sflag:s22] =	ssyncadd.s32 $0xFFFFF800  }
0x67: {  	[spmem:s1], [sflag:s28] =	dma.local [hbm:s5], $0x800  }
0x68: {  	_ =	swait.ge [sflag:s22], $0x800  }
0x69: {  	[sflag:s22] =	ssyncset.done $0x0  }
0x6a: {  	s8 =	simm.s32 $0x0;
	[sflag:s22] =	ssyncadd.s32 $0xFFFFF800  }
0x6b: {  	[tilespmem:s23], [sflag:$0x1] =	stream.linear.gather [hbm4b:s14+s8], $0x2780, $0x38;
	[tilespmem:$0x1D000] =	vst v63  }
0x6c: {  	_ =	swait.ge [sflag:s22], $0x2780  }
0x6d: {  	[sflag:s22] =	ssyncset.done $0x0  }
0x6e: {  	[sflag:s22] =	ssyncadd.s32 $0xFFFFD880  }
0x6f: {  	s9 =	simm.s32 $0x14000;
	[bflag:$0x0] =	sbarrier.arrive $0xFFFF  }
0x70: {  	[tilespmem:s25], [sflag:$0x1] =	stream.indirect.gather [hbm4b:s4+s24], $0x80, s9, s24, $0xb8;
	[tilespmem:$0x1D000] =	vst v63  }
0x71: {  	_ =	swait.ge [sflag:s22], $0x4000  }
0x72: {  	[sflag:s22] =	ssyncset.done $0x0  }
0x73: {  	s21 =	simm.s32 $0x16800;
	[sflag:s22] =	ssyncadd.s32 $0xFFFFC000  }
0x74: {  	[spmem:s2] =	stream.indirect.scatter.add.f32 [tilespmem:s25], [sflag:$0x1], $0x80, s21, s24, $0xb8;
	[tilespmem:$0x1D000] =	vst v63  }
0x75: {  	_ =	swait.ge [sflag:s22], $0x4000  }
0x76: {  	s3 =	simm.s32 $0x400;
	s21 =	simm.s32 $0x80;
	[sflag:s22] =	ssyncset.done $0x0  }
.LBB2_4:
0x77: {  	s6 =	sadd.s32 $0x14000, s21  }
0x78: {  	[sflag:s22] =	ssyncadd.s32 $0xFFFFC000;
	s8 =	smov.u32 s3;
	s9 =	sadd.s32 $0x200, s3  }
0x79: {  	[tilespmem:s25], [sflag:$0x1] =	stream.indirect.gather [hbm4b:s4+s24], $0x80, s6, s24, $0xb8;
	[tilespmem:$0x1D000] =	vst v63  }
0x7a: {  	p0 =	sne.s32 s3, $0x9C00;
	_ =	swait.ge [sflag:s22], $0x4000  }
.Ltmp1:
0x7b: {  	[sflag:s22] =	ssyncset.done $0x0;
	(pc) =	sbr.rel @p0 .LBB2_4-.Ltmp1, $4  }
0x7c: {  	s3 =	sadd.s32 $0x16800, s21;
	[sflag:s22] =	ssyncadd.s32 $0xFFFFC000  }
0x7d: {  	[spmem:s2] =	stream.indirect.scatter.add.f32 [tilespmem:s25], [sflag:$0x1], $0x80, s3, s24, $0xb8;
	[tilespmem:$0x1D000] =	vst v63  }
0x7e: {  	_ =	swait.ge [sflag:s22], $0x4000  }
0x7f: {  	s21 =	sshra.s32 s8, $0x2;
	s3 =	smov.u32 s9;
	[sflag:s22] =	ssyncset.done $0x0  }
0x80: {  	s3 =	sadd.s32 $0x14000, s21;
	[sflag:s22] =	ssyncadd.s32 $0xFFFFC000  }
0x81: {  	[tilespmem:s25], [sflag:$0x1] =	stream.indirect.gather [hbm4b:s4+s24], $0x80, s3, s24, $0xb8;
	[tilespmem:$0x1D000] =	vst v63  }
0x82: {  	_ =	swait.ge [sflag:s22], $0x4000  }
0x83: {  	[sflag:s22] =	ssyncset.done $0x0  }
0x84: {  	s6 =	sadd.s32 $0x16800, s21;
	[sflag:s22] =	ssyncadd.s32 $0xFFFFC000  }
0x85: {  	[spmem:s2] =	stream.indirect.scatter.add.f32 [tilespmem:s25], [sflag:$0x1], $0x80, s6, s24, $0xb8;
	[tilespmem:$0x1D000] =	vst v63  }
0x86: {  	_ =	swait.ge [sflag:s22], $0x4000  }
0x87: {  	[sflag:s22] =	ssyncset.done $0x0  }
0x88: {  	[sflag:s22] =	ssyncadd.s32 $0xFFFFC000  }
0x89: {  	[bflag:$0x0] =	sbarrier.arrive $0xFFFF  }
0x8a: {  	[hbm:s15], [sflag:s28] =	dma.local [spmem:s29], $0x2800  }
0x8b: {  	_ =	swait.ge [sflag:s22], $0x2800  }
0x8c: {  	[sflag:s22] =	ssyncset.done $0x0  }
0x8d: {  	[sflag:s22] =	ssyncadd.s32 $0xFFFFD800  }
0x8e: {  	[bflag:$0x0] =	sbarrier.arrive $0xFFFF  }
0x8f: {  	[spmem:s29], [sflag:s28] =	dma.local [hbm:s5], $0x800  }
0x90: {  	_ =	swait.ge [sflag:s22], $0x800  }
0x91: {  	[sflag:s22] =	ssyncset.done $0x0  }
0x92: {  	[sflag:s22] =	ssyncadd.s32 $0xFFFFF800  }
0x93: {  	[spmem:s30], [sflag:s28] =	dma.local [hbm:s5], $0x800  }
0x94: {  	_ =	swait.ge [sflag:s22], $0x800  }
0x95: {  	[sflag:s22] =	ssyncset.done $0x0  }
0x96: {  	[sflag:s22] =	ssyncadd.s32 $0xFFFFF800  }
0x97: {  	[spmem:s31], [sflag:s28] =	dma.local [hbm:s5], $0x800  }
0x98: {  	_ =	swait.ge [sflag:s22], $0x800  }
0x99: {  	[sflag:s22] =	ssyncset.done $0x0  }
0x9a: {  	[sflag:s22] =	ssyncadd.s32 $0xFFFFF800  }
0x9b: {  	[spmem:s0], [sflag:s28] =	dma.local [hbm:s5], $0x800  }
0x9c: {  	_ =	swait.ge [sflag:s22], $0x800  }
0x9d: {  	[sflag:s22] =	ssyncset.done $0x0  }
0x9e: {  	[sflag:s22] =	ssyncadd.s32 $0xFFFFF800  }
0x9f: {  	[spmem:s1], [sflag:s28] =	dma.local [hbm:s5], $0x800  }
0xa0: {  	_ =	swait.ge [sflag:s22], $0x800  }
0xa1: {  	[sflag:s22] =	ssyncset.done $0x0  }
0xa2: {  	s8 =	simm.s32 $0x0;
	[sflag:s22] =	ssyncadd.s32 $0xFFFFF800  }
0xa3: {  	[tilespmem:s23], [sflag:$0x1] =	stream.linear.gather [hbm4b:s16+s8], $0x2780, $0x38;
	[tilespmem:$0x1D000] =	vst v63  }
0xa4: {  	_ =	swait.ge [sflag:s22], $0x2780  }
0xa5: {  	[sflag:s22] =	ssyncset.done $0x0  }
0xa6: {  	[sflag:s22] =	ssyncadd.s32 $0xFFFFD880  }
0xa7: {  	s9 =	simm.s32 $0x14000;
	[bflag:$0x0] =	sbarrier.arrive $0xFFFF  }
0xa8: {  	[tilespmem:s25], [sflag:$0x1] =	stream.indirect.gather [hbm4b:s4+s24], $0x80, s9, s24, $0xb8;
	[tilespmem:$0x1D000] =	vst v63  }
0xa9: {  	_ =	swait.ge [sflag:s22], $0x4000  }
0xaa: {  	[sflag:s22] =	ssyncset.done $0x0  }
0xab: {  	s21 =	simm.s32 $0x16800;
	[sflag:s22] =	ssyncadd.s32 $0xFFFFC000  }
0xac: {  	[spmem:s2] =	stream.indirect.scatter.add.f32 [tilespmem:s25], [sflag:$0x1], $0x80, s21, s24, $0xb8;
	[tilespmem:$0x1D000] =	vst v63  }
0xad: {  	_ =	swait.ge [sflag:s22], $0x4000  }
0xae: {  	s3 =	simm.s32 $0x400;
	s21 =	simm.s32 $0x80;
	[sflag:s22] =	ssyncset.done $0x0  }
.LBB2_6:
0xaf: {  	s6 =	sadd.s32 $0x14000, s21  }
0xb0: {  	[sflag:s22] =	ssyncadd.s32 $0xFFFFC000;
	s8 =	smov.u32 s3;
	s9 =	sadd.s32 $0x200, s3  }
0xb1: {  	[tilespmem:s25], [sflag:$0x1] =	stream.indirect.gather [hbm4b:s4+s24], $0x80, s6, s24, $0xb8;
	[tilespmem:$0x1D000] =	vst v63  }
0xb2: {  	p0 =	sne.s32 s3, $0x9C00;
	_ =	swait.ge [sflag:s22], $0x4000  }
.Ltmp2:
0xb3: {  	[sflag:s22] =	ssyncset.done $0x0;
	(pc) =	sbr.rel @p0 .LBB2_6-.Ltmp2, $4  }
0xb4: {  	s3 =	sadd.s32 $0x16800, s21;
	[sflag:s22] =	ssyncadd.s32 $0xFFFFC000  }
0xb5: {  	[spmem:s2] =	stream.indirect.scatter.add.f32 [tilespmem:s25], [sflag:$0x1], $0x80, s3, s24, $0xb8;
	[tilespmem:$0x1D000] =	vst v63  }
0xb6: {  	_ =	swait.ge [sflag:s22], $0x4000  }
0xb7: {  	s21 =	sshra.s32 s8, $0x2;
	s3 =	smov.u32 s9;
	[sflag:s22] =	ssyncset.done $0x0  }
0xb8: {  	s3 =	sadd.s32 $0x14000, s21;
	[sflag:s22] =	ssyncadd.s32 $0xFFFFC000  }
0xb9: {  	[tilespmem:s25], [sflag:$0x1] =	stream.indirect.gather [hbm4b:s4+s24], $0x80, s3, s24, $0xb8;
	[tilespmem:$0x1D000] =	vst v63  }
0xba: {  	_ =	swait.ge [sflag:s22], $0x4000  }
0xbb: {  	[sflag:s22] =	ssyncset.done $0x0  }
0xbc: {  	s9 =	sadd.s32 $0x16800, s21;
	[sflag:s22] =	ssyncadd.s32 $0xFFFFC000  }
0xbd: {  	[spmem:s2] =	stream.indirect.scatter.add.f32 [tilespmem:s25], [sflag:$0x1], $0x80, s9, s24, $0xb8;
	[tilespmem:$0x1D000] =	vst v63  }
0xbe: {  	_ =	swait.ge [sflag:s22], $0x4000  }
0xbf: {  	[sflag:s22] =	ssyncset.done $0x0  }
0xc0: {  	[sflag:s22] =	ssyncadd.s32 $0xFFFFC000  }
0xc1: {  	[bflag:$0x0] =	sbarrier.arrive $0xFFFF  }
0xc2: {  	[hbm:s17], [sflag:s28] =	dma.local [spmem:s29], $0x2800  }
0xc3: {  	_ =	swait.ge [sflag:s22], $0x2800  }
0xc4: {  	[sflag:s22] =	ssyncset.done $0x0  }
0xc5: {  	[sflag:s22] =	ssyncadd.s32 $0xFFFFD800  }
0xc6: {  	[bflag:$0x0] =	sbarrier.arrive $0xFFFF  }
0xc7: {  	[spmem:s29], [sflag:s28] =	dma.local [hbm:s5], $0x800  }
0xc8: {  	_ =	swait.ge [sflag:s22], $0x800  }
0xc9: {  	[sflag:s22] =	ssyncset.done $0x0  }
0xca: {  	[sflag:s22] =	ssyncadd.s32 $0xFFFFF800  }
0xcb: {  	[spmem:s30], [sflag:s28] =	dma.local [hbm:s5], $0x800  }
0xcc: {  	_ =	swait.ge [sflag:s22], $0x800  }
0xcd: {  	[sflag:s22] =	ssyncset.done $0x0  }
0xce: {  	[sflag:s22] =	ssyncadd.s32 $0xFFFFF800  }
0xcf: {  	[spmem:s31], [sflag:s28] =	dma.local [hbm:s5], $0x800  }
0xd0: {  	_ =	swait.ge [sflag:s22], $0x800  }
0xd1: {  	[sflag:s22] =	ssyncset.done $0x0  }
0xd2: {  	[sflag:s22] =	ssyncadd.s32 $0xFFFFF800  }
0xd3: {  	[spmem:s0], [sflag:s28] =	dma.local [hbm:s5], $0x800  }
0xd4: {  	_ =	swait.ge [sflag:s22], $0x800  }
0xd5: {  	[sflag:s22] =	ssyncset.done $0x0  }
0xd6: {  	[sflag:s22] =	ssyncadd.s32 $0xFFFFF800  }
0xd7: {  	[spmem:s1], [sflag:s28] =	dma.local [hbm:s5], $0x800  }
0xd8: {  	_ =	swait.ge [sflag:s22], $0x800  }
0xd9: {  	[sflag:s22] =	ssyncset.done $0x0  }
0xda: {  	s21 =	simm.s32 $0x0;
	[sflag:s22] =	ssyncadd.s32 $0xFFFFF800  }
0xdb: {  	[tilespmem:s23], [sflag:$0x1] =	stream.linear.gather [hbm4b:s18+s21], $0x2780, $0x38;
	[tilespmem:$0x1D000] =	vst v63  }
0xdc: {  	_ =	swait.ge [sflag:s22], $0x2780  }
0xdd: {  	[sflag:s22] =	ssyncset.done $0x0  }
0xde: {  	[sflag:s22] =	ssyncadd.s32 $0xFFFFD880  }
0xdf: {  	s30 =	simm.s32 $0x14000;
	[bflag:$0x0] =	sbarrier.arrive $0xFFFF  }
0xe0: {  	[tilespmem:s25], [sflag:$0x1] =	stream.indirect.gather [hbm4b:s4+s24], $0x80, s30, s24, $0xb8;
	[tilespmem:$0x1D000] =	vst v63  }
0xe1: {  	_ =	swait.ge [sflag:s22], $0x4000  }
0xe2: {  	[sflag:s22] =	ssyncset.done $0x0  }
0xe3: {  	s31 =	simm.s32 $0x16800;
	[sflag:s22] =	ssyncadd.s32 $0xFFFFC000  }
0xe4: {  	[spmem:s2] =	stream.indirect.scatter.add.f32 [tilespmem:s25], [sflag:$0x1], $0x80, s31, s24, $0xb8;
	[tilespmem:$0x1D000] =	vst v63  }
0xe5: {  	_ =	swait.ge [sflag:s22], $0x4000  }
0xe6: {  	s0 =	simm.s32 $0x80;
	s1 =	simm.s32 $0x400;
	[sflag:s22] =	ssyncset.done $0x0  }
.LBB2_8:
0xe7: {  	s3 =	sadd.s32 $0x14000, s0  }
0xe8: {  	[sflag:s22] =	ssyncadd.s32 $0xFFFFC000;
	s6 =	smov.u32 s1;
	s8 =	sadd.s32 $0x200, s1  }
0xe9: {  	[tilespmem:s25], [sflag:$0x1] =	stream.indirect.gather [hbm4b:s4+s24], $0x80, s3, s24, $0xb8;
	[tilespmem:$0x1D000] =	vst v63  }
0xea: {  	p0 =	sne.s32 s1, $0x9C00;
	_ =	swait.ge [sflag:s22], $0x4000  }
.Ltmp3:
0xeb: {  	[sflag:s22] =	ssyncset.done $0x0;
	(pc) =	sbr.rel @p0 .LBB2_8-.Ltmp3, $4  }
0xec: {  	s0 =	sadd.s32 $0x16800, s0;
	[sflag:s22] =	ssyncadd.s32 $0xFFFFC000  }
0xed: {  	[spmem:s2] =	stream.indirect.scatter.add.f32 [tilespmem:s25], [sflag:$0x1], $0x80, s0, s24, $0xb8;
	[tilespmem:$0x1D000] =	vst v63  }
0xee: {  	_ =	swait.ge [sflag:s22], $0x4000  }
0xef: {  	s1 =	smov.u32 s8;
	s0 =	sshra.s32 s6, $0x2;
	[sflag:s22] =	ssyncset.done $0x0  }
0xf0: {  	s1 =	sadd.s32 $0x14000, s0;
	[sflag:s22] =	ssyncadd.s32 $0xFFFFC000  }
0xf1: {  	[tilespmem:s25], [sflag:$0x1] =	stream.indirect.gather [hbm4b:s4+s24], $0x80, s1, s24, $0xb8;
	[tilespmem:$0x1D000] =	vst v63  }
0xf2: {  	_ =	swait.ge [sflag:s22], $0x4000  }
0xf3: {  	[sflag:s22] =	ssyncset.done $0x0  }
0xf4: {  	s31 =	sadd.s32 $0x16800, s0;
	[sflag:s22] =	ssyncadd.s32 $0xFFFFC000  }
0xf5: {  	[spmem:s2] =	stream.indirect.scatter.add.f32 [tilespmem:s25], [sflag:$0x1], $0x80, s31, s24, $0xb8;
	[tilespmem:$0x1D000] =	vst v63  }
0xf6: {  	_ =	swait.ge [sflag:s22], $0x4000  }
0xf7: {  	[sflag:s22] =	ssyncset.done $0x0  }
0xf8: {  	s26 =	sadd.s32 $0x1, s26;
	[sflag:s22] =	ssyncadd.s32 $0xFFFFC000  }
0xf9: {  	p0 =	sne.s32 s26, s20;
	[bflag:$0x0] =	sbarrier.arrive $0xFFFF  }
0xfa: {  	[hbm:s19], [sflag:s28] =	dma.local [spmem:s29], $0x2800  }
.Ltmp4:
0xfb: {  	_ =	swait.ge [sflag:s22], $0x2800;
	(pc) =	sbr.rel @p0 .LBB2_1-.Ltmp4, $3  }
0xfc: {  	[sflag:s22] =	ssyncset.done $0x0  }
0xfd: {  	[sflag:s22] =	ssyncadd.s32 $0xFFFFD800  }
0xfe: {  	[bflag:$0x0] =	sbarrier.arrive $0xFFFF;
	_ =	sdelay $0x1  }
0xff: {  	_ =	sfence.sel $0x180000  }
0x100: {  	[bflag:$0x0] =	sbarrier.arrive $0xFFFF  }
0x101: {  	_ =	strace $0x9000004A  }
0x102: {  	s0 =	stileid.u32;
	[bflag:$0x2] =	sbarrier.arrive $0xFFFF  }
0x103: {  	p0 =	sne.s32 s0, $0x0;
	s0 =	rddreg [dreg:$0x2]  }
0x104: {  	s0 =	sadd.s32 @!p0 $0x100000, s0  }
0x105: {  	[sflag:s0] =	ssyncadd.tile.s32 @!p0 $0x1;
	_ =	shalt  }
.Lfunc_end2:
_tile_overlayer_lowered:
.L_overlay_start_2:
0x106: {  	(tag) =	ssettag $0x2  }
0x107: {  	s0 =	rddreg [dreg:$0x0];
	s2 =	stileid.u32  }
0x108: {  	s1 =	rddreg [dreg:$0x1];
	p0 =	sne.s32 s2, $0x0  }
0x109: {  	s3 =	rddreg [dreg:$0x2];
	[bflag:$0x3] =	sbarrier.arrive $0xFFFF;
	s2 =	simm.s32 @!p0 $0x1C01  }
0x10a: {  	[timem:s3], [sflag:s2] =	dma.local @!p0 [hbm:s0], s1  }
0x10b: {  	s0 =	simm.s32 @!p0 $0x1  }
0x10c: {  	_ =	swait.ge @!p0 [sflag:s0], s1  }
0x10d: {  	s1 =	ssub.s32 @!p0 $0x0, s1;
	[sflag:s0] =	ssyncset.done @!p0 $0x0  }
0x10e: {  	[sflag:s0] =	ssyncadd.s32 @!p0 s1  }
0x10f: {  	[bflag:$0x3] =	sbarrier.arrive $0xFFFF  }
0x110: {  	_ =	shalt  }

</sc_bundles>
